<compile_context>
chip_gen: v7x
topology: tpu7x:2x2x1
jax: 0.10.2.dev20260603
libtpu: 0.0.44.dev20260713+nightly
codegen_flags: <defaults>
</compile_context>

<pallas_src>
import functools

import jax
import jax.numpy as jnp
from jax import lax
from jax.experimental import pallas as pl
from jax.experimental.pallas import tpu as pltpu
from jax.experimental.pallas import tpu_sc as plsc

N_CLASSES = 1000000
EMBED_DIM = 16
BATCH = 16384

NUM_CORES = 2
NUM_SUBCORES = 16
NW = NUM_CORES * NUM_SUBCORES
BPW = BATCH // NW
LANES = 16
NGRP = BPW // LANES
LAST_TILE = 7811
TAIL0 = 999936

_mesh = plsc.VectorSubcoreMesh(core_axis_name="c", subcore_axis_name="s")


@functools.partial(
    pl.kernel,
    mesh=_mesh,
    out_type=jax.ShapeDtypeStruct((EMBED_DIM, BATCH), jnp.float32),
    scratch_types=[
        pltpu.VMEM((BPW,), jnp.int32),
        pltpu.VMEM((LANES, EMBED_DIM, 128), jnp.float32),
        pltpu.VMEM((EMBED_DIM, 64), jnp.float32),
        pltpu.VMEM((EMBED_DIM, BPW), jnp.float32),
        pltpu.SemaphoreType.DMA,
    ],
    compiler_params=pltpu.CompilerParams(needs_layout_passes=False),
)
def _embed_lookup(idx_hbm, tableT_hbm, out_hbm, idx_v, blk_v,
                  tail_v, rows_v, sem):
    sid = lax.axis_index("s")
    wid = sid * NUM_CORES + lax.axis_index("c")
    base = wid * BPW
    pltpu.sync_copy(idx_hbm.at[pl.ds(base, BPW)], idx_v)
    pltpu.sync_copy(tableT_hbm.at[:, pl.ds(TAIL0, 64)], tail_v)
    lanevec = jax.lax.iota(jnp.int32, LANES)

    def grp_body(g, _):
        rv = idx_v[pl.ds(g * LANES, LANES)]
        kc = jnp.clip(rv >> 7, 0, LAST_TILE)
        copies = []
        for i in range(LANES):
            k = jax.lax.reduce_max(
                jnp.where(lanevec == i, kc, 0), axes=(0,)
            )
            col = pl.multiple_of(k * 128, 128)
            copies.append(
                pltpu.async_copy(
                    tableT_hbm.at[:, pl.ds(col, 128)], blk_v.at[i], sem
                )
            )
        for cp in copies:
            cp.wait()

        rvec = idx_v[pl.ds(g * LANES, LANES)]
        kvec = rvec >> 7
        lane = rvec & 127
        is_tail = kvec > LAST_TILE
        lane_tail = jnp.clip(rvec - TAIL0, 0, 63)
        blkidx = jax.lax.iota(jnp.int32, LANES)
        for c in range(EMBED_DIM):
            cvec = jnp.full((LANES,), c, jnp.int32)
            main = plsc.load_gather(blk_v, [blkidx, cvec, lane])
            tailv = plsc.load_gather(tail_v, [cvec, lane_tail])
            rows_v[c, pl.ds(g * LANES, LANES)] = jnp.where(is_tail, tailv, main)
        return 0

    lax.fori_loop(0, NGRP, grp_body, 0)
    pltpu.sync_copy(rows_v, out_hbm.at[:, pl.ds(base, BPW)])


def kernel(cond, table):
    out = _embed_lookup(cond, table.T)
    return out.T.reshape(BATCH, 1, EMBED_DIM)

# --- scband reference (transcript-rebuilt; emitter-appended) ---
"""Pipeline reference for scband-class-embedder-40535901340281 (READ-ONLY COPY).

The authoritative reference and input builder live on the scoring server;
editing this copy changes nothing except your own understanding.
"""

import jax, jax.numpy as jnp
import numpy as np

N_CLASSES = 1000000
EMBED_DIM = 16
BATCH = 16384

def setup_inputs(seed: int = 0) -> dict:
    key = jax.random.key(seed)
    k1, k2 = jax.random.split(key)
    cond = jax.random.randint(k1, (BATCH,), 0, N_CLASSES, dtype=jnp.int64 if jax.config.read('jax_enable_x64') else jnp.int32)
    table = jax.random.normal(k2, (N_CLASSES, EMBED_DIM), dtype=jnp.float32)
    return {"cond": cond, "table": table}

def reference(cond, table):
    # c = self.embedding(cond[:, None]) -> [B, 1, embed_dim]
    idx = cond[:, None]
    c = jnp.take(table, idx, axis=0)
    return c

if __name__ == "__main__":
    import jax
    _d = setup_inputs()
    print(jax.jit(kernel)(*tuple(_d.values())))

</pallas_src>

<mosaic_0001>
#map = affine_map<(d0, d1) -> (0)>
#map1 = affine_map<(d0, d1) -> (0, 0)>
module attributes {stable_mosaic.version = 14 : i64} {
  func.func @_embed_lookup(%arg0: i32, %arg1: i32, %arg2: memref<16384xi32, #tpu.memory_space<hbm>>, %arg3: memref<16x1000000xf32, #tpu.memory_space<hbm>>, %arg4: memref<16x16384xf32, #tpu.memory_space<hbm>>, %arg5: memref<512xi32, #tpu.memory_space<vmem>>, %arg6: memref<16x16x128xf32, #tpu.memory_space<vmem>>, %arg7: memref<16x64xf32, #tpu.memory_space<vmem>>, %arg8: memref<16x512xf32, #tpu.memory_space<vmem>>, %arg9: memref<!tpu.dma_semaphore, #tpu.memory_space<semaphore_mem>>) attributes {dimension_semantics = [#tpu.dimension_semantics<core_parallel>, #tpu.dimension_semantics<subcore_parallel>], iteration_bounds = array<i64: 2, 16>, scalar_prefetch = 0 : i64, scratch_operands = 5 : i64, tpu.core_type = #tpu.core_type<sc_vector_subcore>, window_params = [{transform_indices = #map}, {transform_indices = #map1}, {transform_indices = #map1}]} {
    %mul3A = arith.constant 2 : i32
    %mul3A_0 = arith.muli %arg1, %mul3A : i32
    %add3A = arith.addi %mul3A_0, %arg0 : i32
    %mul3A_1 = arith.constant 512 : i32
    %mul3A_2 = arith.muli %add3A, %mul3A_1 : i32
    "tpu.region"() ({
      %run_scoped3A = tpu.sem_alloc : memref<!tpu.dma_semaphore, #tpu.memory_space<semaphore_mem>>
      %dma_start3A = tpu.memref_slice %arg2[%mul3A_2] : memref<16384xi32, #tpu.memory_space<hbm>> -> memref<512xi32, #tpu.memory_space<hbm>>
      %dma_start3A_9 = tpu.memref_slice %arg2[%mul3A_2] : memref<16384xi32, #tpu.memory_space<hbm>> -> memref<512xi32, #tpu.memory_space<hbm>>
      tpu.enqueue_dma source(%dma_start3A_9 : memref<512xi32, #tpu.memory_space<hbm>>) target(%arg5 : memref<512xi32, #tpu.memory_space<vmem>>) target_semaphore(%run_scoped3A : memref<!tpu.dma_semaphore, #tpu.memory_space<semaphore_mem>>)
      %dma_wait3A = tpu.memref_slice %arg2[%mul3A_2] : memref<16384xi32, #tpu.memory_space<hbm>> -> memref<512xi32, #tpu.memory_space<hbm>>
      %dma_wait3A_10 = tpu.memref_slice %arg2[%mul3A_2] : memref<16384xi32, #tpu.memory_space<hbm>> -> memref<512xi32, #tpu.memory_space<hbm>>
      tpu.wait_dma2 semaphore(%run_scoped3A : memref<!tpu.dma_semaphore, #tpu.memory_space<semaphore_mem>>) src(%dma_wait3A_10 : memref<512xi32, #tpu.memory_space<hbm>>) dst(%arg5 : memref<512xi32, #tpu.memory_space<vmem>>)
      tpu.yield
    }) : () -> ()
    "tpu.region"() ({
      %run_scoped3A = tpu.sem_alloc : memref<!tpu.dma_semaphore, #tpu.memory_space<semaphore_mem>>
      %dma_start3A = arith.constant 0 : i32
      %dma_start3A_9 = arith.constant 999936 : i32
      %dma_start3A_10 = tpu.memref_slice %arg3[%dma_start3A, %dma_start3A_9] : memref<16x1000000xf32, #tpu.memory_space<hbm>> -> memref<16x64xf32, #tpu.memory_space<hbm>>
      %dma_start3A_11 = arith.constant 0 : i32
      %dma_start3A_12 = arith.constant 999936 : i32
      %dma_start3A_13 = tpu.memref_slice %arg3[%dma_start3A_11, %dma_start3A_12] : memref<16x1000000xf32, #tpu.memory_space<hbm>> -> memref<16x64xf32, #tpu.memory_space<hbm>>
      tpu.enqueue_dma source(%dma_start3A_13 : memref<16x64xf32, #tpu.memory_space<hbm>>) target(%arg7 : memref<16x64xf32, #tpu.memory_space<vmem>>) target_semaphore(%run_scoped3A : memref<!tpu.dma_semaphore, #tpu.memory_space<semaphore_mem>>)
      %dma_wait3A = arith.constant 0 : i32
      %dma_wait3A_14 = arith.constant 999936 : i32
      %dma_wait3A_15 = tpu.memref_slice %arg3[%dma_wait3A, %dma_wait3A_14] : memref<16x1000000xf32, #tpu.memory_space<hbm>> -> memref<16x64xf32, #tpu.memory_space<hbm>>
      %dma_wait3A_16 = arith.constant 0 : i32
      %dma_wait3A_17 = arith.constant 999936 : i32
      %dma_wait3A_18 = tpu.memref_slice %arg3[%dma_wait3A_16, %dma_wait3A_17] : memref<16x1000000xf32, #tpu.memory_space<hbm>> -> memref<16x64xf32, #tpu.memory_space<hbm>>
      tpu.wait_dma2 semaphore(%run_scoped3A : memref<!tpu.dma_semaphore, #tpu.memory_space<semaphore_mem>>) src(%dma_wait3A_18 : memref<16x64xf32, #tpu.memory_space<hbm>>) dst(%arg7 : memref<16x64xf32, #tpu.memory_space<vmem>>)
      tpu.yield
    }) : () -> ()
    %iota3A = tpu.iota {dimensions = array<i32: 0>} : vector<16xi32>
    %scan3A = arith.constant 0 : i32
    %scan3A_3 = arith.constant 0 : i32
    %scan3A_4 = arith.constant 32 : i32
    %scan3A_5 = arith.addi %scan3A_3, %scan3A_4 : i32
    %scan3A_6 = arith.constant 1 : i32
    %scan3A_7 = scf.for %scan3A_9 = %scan3A_3 to %scan3A_5 step %scan3A_6 iter_args(%scan3A_10 = %scan3A) -> (i32)  : i32 {
      %mul3A_11 = arith.constant 16 : i32
      %mul3A_12 = arith.muli %scan3A_9, %mul3A_11 : i32
      %get3A = arith.index_cast %mul3A_12 : i32 to index
      %get3A_13 = tpu.vector_load %arg5[%get3A] {strides = array<i32>} : memref<512xi32, #tpu.memory_space<vmem>>, vector<16xi32>,
      %shift_right_arithmetic3A = arith.constant 7 : i32
      %shift_right_arithmetic3A_14 = vector.broadcast %shift_right_arithmetic3A : i32 to vector<16xi32>
      %shift_right_arithmetic3A_15 = arith.shrsi %get3A_13, %shift_right_arithmetic3A_14 : vector<16xi32>
      %jit3A = arith.constant 0 : i32
      %jit3A_16 = arith.constant 7811 : i32
      %max3A = vector.broadcast %jit3A : i32 to vector<16xi32>
      %max3A_17 = arith.maxsi %max3A, %shift_right_arithmetic3A_15 : vector<16xi32>
      %min3A = vector.broadcast %jit3A_16 : i32 to vector<16xi32>
      %min3A_18 = arith.minsi %min3A, %max3A_17 : vector<16xi32>
      %eq3A = arith.constant 0 : i32
      %eq3A_19 = vector.broadcast %eq3A : i32 to vector<16xi32>
      %eq3A_20 = arith.cmpi eq, %iota3A, %eq3A_19 : vector<16xi32>
      %jit3A_21 = arith.constant 0 : i32
      %broadcast_in_dim3A = vector.broadcast %jit3A_21 : i32 to vector<16xi32>
      %select_n3A = arith.select %eq3A_20, %min3A_18, %broadcast_in_dim3A : vector<16xi1>, vector<16xi32>
      %reduce_max3A = arith.constant true
      %reduce_max3A_22 = vector.broadcast %reduce_max3A : i1 to vector<16xi1>
      %reduce_max3A_23 = arith.constant -2147483648 : i32
      %reduce_max3A_24 = vector.broadcast %reduce_max3A_23 : i32 to vector<16xi32>
      %reduce_max3A_25 = arith.xori %select_n3A, %reduce_max3A_24 : vector<16xi32>
      %reduce_max3A_26 = tpu.scan <max>, %reduce_max3A_25 masked %reduce_max3A_22 : vector<16xi32>, vector<16xi1> -> vector<16xi32>
      %reduce_max3A_27 = arith.xori %reduce_max3A_26, %reduce_max3A_24 : vector<16xi32>
      %reduce_max3A_28 = vector.extract %reduce_max3A_27[15] : i32 from vector<16xi32>
      %mul3A_29 = arith.constant 128 : i32
      %mul3A_30 = arith.muli %reduce_max3A_28, %mul3A_29 : i32
      %multiple_of3A = tpu.assume_multiple %mul3A_30, 128 : i32
      %dma_start3A = arith.constant 0 : i32
      %dma_start3A_31 = arith.constant 0 : i32
      %dma_start3A_32 = arith.constant 0 : i32
      %dma_start3A_33 = tpu.memref_slice %arg6[%dma_start3A, %dma_start3A_31, %dma_start3A_32] : memref<16x16x128xf32, #tpu.memory_space<vmem>> -> memref<1x16x128xf32, #tpu.memory_space<vmem>>
      %dma_start3A_34 = tpu.memref_squeeze %dma_start3A_33 : memref<1x16x128xf32, #tpu.memory_space<vmem>> -> memref<16x128xf32, #tpu.memory_space<vmem>>
      %dma_start3A_35 = arith.constant 0 : i32
      %dma_start3A_36 = tpu.memref_slice %arg3[%dma_start3A_35, %multiple_of3A] : memref<16x1000000xf32, #tpu.memory_space<hbm>> -> memref<16x128xf32, #tpu.memory_space<hbm>>
      %dma_start3A_37 = arith.constant 0 : i32
      %dma_start3A_38 = arith.constant 0 : i32
      %dma_start3A_39 = tpu.memref_slice %arg6[%dma_start3A, %dma_start3A_37, %dma_start3A_38] : memref<16x16x128xf32, #tpu.memory_space<vmem>> -> memref<1x16x128xf32, #tpu.memory_space<vmem>>
      %dma_start3A_40 = tpu.memref_squeeze %dma_start3A_39 : memref<1x16x128xf32, #tpu.memory_space<vmem>> -> memref<16x128xf32, #tpu.memory_space<vmem>>
      %dma_start3A_41 = arith.constant 0 : i32
      %dma_start3A_42 = tpu.memref_slice %arg3[%dma_start3A_41, %multiple_of3A] : memref<16x1000000xf32, #tpu.memory_space<hbm>> -> memref<16x128xf32, #tpu.memory_space<hbm>>
      tpu.enqueue_dma source(%dma_start3A_42 : memref<16x128xf32, #tpu.memory_space<hbm>>) target(%dma_start3A_40 : memref<16x128xf32, #tpu.memory_space<vmem>>) target_semaphore(%arg9 : memref<!tpu.dma_semaphore, #tpu.memory_space<semaphore_mem>>)
      %eq3A_43 = arith.constant 1 : i32
      %eq3A_44 = vector.broadcast %eq3A_43 : i32 to vector<16xi32>
      %eq3A_45 = arith.cmpi eq, %iota3A, %eq3A_44 : vector<16xi32>
      %jit3A_46 = arith.constant 0 : i32
      %broadcast_in_dim3A_47 = vector.broadcast %jit3A_46 : i32 to vector<16xi32>
      %select_n3A_48 = arith.select %eq3A_45, %min3A_18, %broadcast_in_dim3A_47 : vector<16xi1>, vector<16xi32>
      %reduce_max3A_49 = arith.constant true
      %reduce_max3A_50 = vector.broadcast %reduce_max3A_49 : i1 to vector<16xi1>
      %reduce_max3A_51 = arith.constant -2147483648 : i32
      %reduce_max3A_52 = vector.broadcast %reduce_max3A_51 : i32 to vector<16xi32>
      %reduce_max3A_53 = arith.xori %select_n3A_48, %reduce_max3A_52 : vector<16xi32>
      %reduce_max3A_54 = tpu.scan <max>, %reduce_max3A_53 masked %reduce_max3A_50 : vector<16xi32>, vector<16xi1> -> vector<16xi32>
      %reduce_max3A_55 = arith.xori %reduce_max3A_54, %reduce_max3A_52 : vector<16xi32>
      %reduce_max3A_56 = vector.extract %reduce_max3A_55[15] : i32 from vector<16xi32>
      %mul3A_57 = arith.constant 128 : i32
      %mul3A_58 = arith.muli %reduce_max3A_56, %mul3A_57 : i32
      %multiple_of3A_59 = tpu.assume_multiple %mul3A_58, 128 : i32
      %dma_start3A_60 = arith.constant 1 : i32
      %dma_start3A_61 = arith.constant 0 : i32
      %dma_start3A_62 = arith.constant 0 : i32
      %dma_start3A_63 = tpu.memref_slice %arg6[%dma_start3A_60, %dma_start3A_61, %dma_start3A_62] : memref<16x16x128xf32, #tpu.memory_space<vmem>> -> memref<1x16x128xf32, #tpu.memory_space<vmem>>
      %dma_start3A_64 = tpu.memref_squeeze %dma_start3A_63 : memref<1x16x128xf32, #tpu.memory_space<vmem>> -> memref<16x128xf32, #tpu.memory_space<vmem>>
      %dma_start3A_65 = arith.constant 0 : i32
      %dma_start3A_66 = tpu.memref_slice %arg3[%dma_start3A_65, %multiple_of3A_59] : memref<16x1000000xf32, #tpu.memory_space<hbm>> -> memref<16x128xf32, #tpu.memory_space<hbm>>
      %dma_start3A_67 = arith.constant 0 : i32
      %dma_start3A_68 = arith.constant 0 : i32
      %dma_start3A_69 = tpu.memref_slice %arg6[%dma_start3A_60, %dma_start3A_67, %dma_start3A_68] : memref<16x16x128xf32, #tpu.memory_space<vmem>> -> memref<1x16x128xf32, #tpu.memory_space<vmem>>
      %dma_start3A_70 = tpu.memref_squeeze %dma_start3A_69 : memref<1x16x128xf32, #tpu.memory_space<vmem>> -> memref<16x128xf32, #tpu.memory_space<vmem>>
      %dma_start3A_71 = arith.constant 0 : i32
      %dma_start3A_72 = tpu.memref_slice %arg3[%dma_start3A_71, %multiple_of3A_59] : memref<16x1000000xf32, #tpu.memory_space<hbm>> -> memref<16x128xf32, #tpu.memory_space<hbm>>
      tpu.enqueue_dma source(%dma_start3A_72 : memref<16x128xf32, #tpu.memory_space<hbm>>) target(%dma_start3A_70 : memref<16x128xf32, #tpu.memory_space<vmem>>) target_semaphore(%arg9 : memref<!tpu.dma_semaphore, #tpu.memory_space<semaphore_mem>>)
      %eq3A_73 = arith.constant 2 : i32
      %eq3A_74 = vector.broadcast %eq3A_73 : i32 to vector<16xi32>
      %eq3A_75 = arith.cmpi eq, %iota3A, %eq3A_74 : vector<16xi32>
      %jit3A_76 = arith.constant 0 : i32
      %broadcast_in_dim3A_77 = vector.broadcast %jit3A_76 : i32 to vector<16xi32>
      %select_n3A_78 = arith.select %eq3A_75, %min3A_18, %broadcast_in_dim3A_77 : vector<16xi1>, vector<16xi32>
      %reduce_max3A_79 = arith.constant true
      %reduce_max3A_80 = vector.broadcast %reduce_max3A_79 : i1 to vector<16xi1>
      %reduce_max3A_81 = arith.constant -2147483648 : i32
      %reduce_max3A_82 = vector.broadcast %reduce_max3A_81 : i32 to vector<16xi32>
      %reduce_max3A_83 = arith.xori %select_n3A_78, %reduce_max3A_82 : vector<16xi32>
      %reduce_max3A_84 = tpu.scan <max>, %reduce_max3A_83 masked %reduce_max3A_80 : vector<16xi32>, vector<16xi1> -> vector<16xi32>
      %reduce_max3A_85 = arith.xori %reduce_max3A_84, %reduce_max3A_82 : vector<16xi32>
      %reduce_max3A_86 = vector.extract %reduce_max3A_85[15] : i32 from vector<16xi32>
      %mul3A_87 = arith.constant 128 : i32
      %mul3A_88 = arith.muli %reduce_max3A_86, %mul3A_87 : i32
      %multiple_of3A_89 = tpu.assume_multiple %mul3A_88, 128 : i32
      %dma_start3A_90 = arith.constant 2 : i32
      %dma_start3A_91 = arith.constant 0 : i32
      %dma_start3A_92 = arith.constant 0 : i32
      %dma_start3A_93 = tpu.memref_slice %arg6[%dma_start3A_90, %dma_start3A_91, %dma_start3A_92] : memref<16x16x128xf32, #tpu.memory_space<vmem>> -> memref<1x16x128xf32, #tpu.memory_space<vmem>>
      %dma_start3A_94 = tpu.memref_squeeze %dma_start3A_93 : memref<1x16x128xf32, #tpu.memory_space<vmem>> -> memref<16x128xf32, #tpu.memory_space<vmem>>
      %dma_start3A_95 = arith.constant 0 : i32
      %dma_start3A_96 = tpu.memref_slice %arg3[%dma_start3A_95, %multiple_of3A_89] : memref<16x1000000xf32, #tpu.memory_space<hbm>> -> memref<16x128xf32, #tpu.memory_space<hbm>>
      %dma_start3A_97 = arith.constant 0 : i32
      %dma_start3A_98 = arith.constant 0 : i32
      %dma_start3A_99 = tpu.memref_slice %arg6[%dma_start3A_90, %dma_start3A_97, %dma_start3A_98] : memref<16x16x128xf32, #tpu.memory_space<vmem>> -> memref<1x16x128xf32, #tpu.memory_space<vmem>>
      %dma_start3A_100 = tpu.memref_squeeze %dma_start3A_99 : memref<1x16x128xf32, #tpu.memory_space<vmem>> -> memref<16x128xf32, #tpu.memory_space<vmem>>
      %dma_start3A_101 = arith.constant 0 : i32
      %dma_start3A_102 = tpu.memref_slice %arg3[%dma_start3A_101, %multiple_of3A_89] : memref<16x1000000xf32, #tpu.memory_space<hbm>> -> memref<16x128xf32, #tpu.memory_space<hbm>>
      tpu.enqueue_dma source(%dma_start3A_102 : memref<16x128xf32, #tpu.memory_space<hbm>>) target(%dma_start3A_100 : memref<16x128xf32, #tpu.memory_space<vmem>>) target_semaphore(%arg9 : memref<!tpu.dma_semaphore, #tpu.memory_space<semaphore_mem>>)
      %eq3A_103 = arith.constant 3 : i32
      %eq3A_104 = vector.broadcast %eq3A_103 : i32 to vector<16xi32>
      %eq3A_105 = arith.cmpi eq, %iota3A, %eq3A_104 : vector<16xi32>
      %jit3A_106 = arith.constant 0 : i32
      %broadcast_in_dim3A_107 = vector.broadcast %jit3A_106 : i32 to vector<16xi32>
      %select_n3A_108 = arith.select %eq3A_105, %min3A_18, %broadcast_in_dim3A_107 : vector<16xi1>, vector<16xi32>
      %reduce_max3A_109 = arith.constant true
      %reduce_max3A_110 = vector.broadcast %reduce_max3A_109 : i1 to vector<16xi1>
      %reduce_max3A_111 = arith.constant -2147483648 : i32
      %reduce_max3A_112 = vector.broadcast %reduce_max3A_111 : i32 to vector<16xi32>
      %reduce_max3A_113 = arith.xori %select_n3A_108, %reduce_max3A_112 : vector<16xi32>
      %reduce_max3A_114 = tpu.scan <max>, %reduce_max3A_113 masked %reduce_max3A_110 : vector<16xi32>, vector<16xi1> -> vector<16xi32>
      %reduce_max3A_115 = arith.xori %reduce_max3A_114, %reduce_max3A_112 : vector<16xi32>
      %reduce_max3A_116 = vector.extract %reduce_max3A_115[15] : i32 from vector<16xi32>
      %mul3A_117 = arith.constant 128 : i32
      %mul3A_118 = arith.muli %reduce_max3A_116, %mul3A_117 : i32
      %multiple_of3A_119 = tpu.assume_multiple %mul3A_118, 128 : i32
      %dma_start3A_120 = arith.constant 3 : i32
      %dma_start3A_121 = arith.constant 0 : i32
      %dma_start3A_122 = arith.constant 0 : i32
      %dma_start3A_123 = tpu.memref_slice %arg6[%dma_start3A_120, %dma_start3A_121, %dma_start3A_122] : memref<16x16x128xf32, #tpu.memory_space<vmem>> -> memref<1x16x128xf32, #tpu.memory_space<vmem>>
      %dma_start3A_124 = tpu.memref_squeeze %dma_start3A_123 : memref<1x16x128xf32, #tpu.memory_space<vmem>> -> memref<16x128xf32, #tpu.memory_space<vmem>>
      %dma_start3A_125 = arith.constant 0 : i32
      %dma_start3A_126 = tpu.memref_slice %arg3[%dma_start3A_125, %multiple_of3A_119] : memref<16x1000000xf32, #tpu.memory_space<hbm>> -> memref<16x128xf32, #tpu.memory_space<hbm>>
      %dma_start3A_127 = arith.constant 0 : i32
      %dma_start3A_128 = arith.constant 0 : i32
      %dma_start3A_129 = tpu.memref_slice %arg6[%dma_start3A_120, %dma_start3A_127, %dma_start3A_128] : memref<16x16x128xf32, #tpu.memory_space<vmem>> -> memref<1x16x128xf32, #tpu.memory_space<vmem>>
      %dma_start3A_130 = tpu.memref_squeeze %dma_start3A_129 : memref<1x16x128xf32, #tpu.memory_space<vmem>> -> memref<16x128xf32, #tpu.memory_space<vmem>>
      %dma_start3A_131 = arith.constant 0 : i32
      %dma_start3A_132 = tpu.memref_slice %arg3[%dma_start3A_131, %multiple_of3A_119] : memref<16x1000000xf32, #tpu.memory_space<hbm>> -> memref<16x128xf32, #tpu.memory_space<hbm>>
      tpu.enqueue_dma source(%dma_start3A_132 : memref<16x128xf32, #tpu.memory_space<hbm>>) target(%dma_start3A_130 : memref<16x128xf32, #tpu.memory_space<vmem>>) target_semaphore(%arg9 : memref<!tpu.dma_semaphore, #tpu.memory_space<semaphore_mem>>)
      %eq3A_133 = arith.constant 4 : i32
      %eq3A_134 = vector.broadcast %eq3A_133 : i32 to vector<16xi32>
      %eq3A_135 = arith.cmpi eq, %iota3A, %eq3A_134 : vector<16xi32>
      %jit3A_136 = arith.constant 0 : i32
      %broadcast_in_dim3A_137 = vector.broadcast %jit3A_136 : i32 to vector<16xi32>
      %select_n3A_138 = arith.select %eq3A_135, %min3A_18, %broadcast_in_dim3A_137 : vector<16xi1>, vector<16xi32>
      %reduce_max3A_139 = arith.constant true
      %reduce_max3A_140 = vector.broadcast %reduce_max3A_139 : i1 to vector<16xi1>
      %reduce_max3A_141 = arith.constant -2147483648 : i32
      %reduce_max3A_142 = vector.broadcast %reduce_max3A_141 : i32 to vector<16xi32>
      %reduce_max3A_143 = arith.xori %select_n3A_138, %reduce_max3A_142 : vector<16xi32>
      %reduce_max3A_144 = tpu.scan <max>, %reduce_max3A_143 masked %reduce_max3A_140 : vector<16xi32>, vector<16xi1> -> vector<16xi32>
      %reduce_max3A_145 = arith.xori %reduce_max3A_144, %reduce_max3A_142 : vector<16xi32>
      %reduce_max3A_146 = vector.extract %reduce_max3A_145[15] : i32 from vector<16xi32>
      %mul3A_147 = arith.constant 128 : i32
      %mul3A_148 = arith.muli %reduce_max3A_146, %mul3A_147 : i32
      %multiple_of3A_149 = tpu.assume_multiple %mul3A_148, 128 : i32
      %dma_start3A_150 = arith.constant 4 : i32
      %dma_start3A_151 = arith.constant 0 : i32
      %dma_start3A_152 = arith.constant 0 : i32
      %dma_start3A_153 = tpu.memref_slice %arg6[%dma_start3A_150, %dma_start3A_151, %dma_start3A_152] : memref<16x16x128xf32, #tpu.memory_space<vmem>> -> memref<1x16x128xf32, #tpu.memory_space<vmem>>
      %dma_start3A_154 = tpu.memref_squeeze %dma_start3A_153 : memref<1x16x128xf32, #tpu.memory_space<vmem>> -> memref<16x128xf32, #tpu.memory_space<vmem>>
      %dma_start3A_155 = arith.constant 0 : i32
      %dma_start3A_156 = tpu.memref_slice %arg3[%dma_start3A_155, %multiple_of3A_149] : memref<16x1000000xf32, #tpu.memory_space<hbm>> -> memref<16x128xf32, #tpu.memory_space<hbm>>
      %dma_start3A_157 = arith.constant 0 : i32
      %dma_start3A_158 = arith.constant 0 : i32
      %dma_start3A_159 = tpu.memref_slice %arg6[%dma_start3A_150, %dma_start3A_157, %dma_start3A_158] : memref<16x16x128xf32, #tpu.memory_space<vmem>> -> memref<1x16x128xf32, #tpu.memory_space<vmem>>
      %dma_start3A_160 = tpu.memref_squeeze %dma_start3A_159 : memref<1x16x128xf32, #tpu.memory_space<vmem>> -> memref<16x128xf32, #tpu.memory_space<vmem>>
      %dma_start3A_161 = arith.constant 0 : i32
      %dma_start3A_162 = tpu.memref_slice %arg3[%dma_start3A_161, %multiple_of3A_149] : memref<16x1000000xf32, #tpu.memory_space<hbm>> -> memref<16x128xf32, #tpu.memory_space<hbm>>
      tpu.enqueue_dma source(%dma_start3A_162 : memref<16x128xf32, #tpu.memory_space<hbm>>) target(%dma_start3A_160 : memref<16x128xf32, #tpu.memory_space<vmem>>) target_semaphore(%arg9 : memref<!tpu.dma_semaphore, #tpu.memory_space<semaphore_mem>>)
      %eq3A_163 = arith.constant 5 : i32
      %eq3A_164 = vector.broadcast %eq3A_163 : i32 to vector<16xi32>
      %eq3A_165 = arith.cmpi eq, %iota3A, %eq3A_164 : vector<16xi32>
      %jit3A_166 = arith.constant 0 : i32
      %broadcast_in_dim3A_167 = vector.broadcast %jit3A_166 : i32 to vector<16xi32>
      %select_n3A_168 = arith.select %eq3A_165, %min3A_18, %broadcast_in_dim3A_167 : vector<16xi1>, vector<16xi32>
      %reduce_max3A_169 = arith.constant true
      %reduce_max3A_170 = vector.broadcast %reduce_max3A_169 : i1 to vector<16xi1>
      %reduce_max3A_171 = arith.constant -2147483648 : i32
      %reduce_max3A_172 = vector.broadcast %reduce_max3A_171 : i32 to vector<16xi32>
      %reduce_max3A_173 = arith.xori %select_n3A_168, %reduce_max3A_172 : vector<16xi32>
      %reduce_max3A_174 = tpu.scan <max>, %reduce_max3A_173 masked %reduce_max3A_170 : vector<16xi32>, vector<16xi1> -> vector<16xi32>
      %reduce_max3A_175 = arith.xori %reduce_max3A_174, %reduce_max3A_172 : vector<16xi32>
      %reduce_max3A_176 = vector.extract %reduce_max3A_175[15] : i32 from vector<16xi32>
      %mul3A_177 = arith.constant 128 : i32
      %mul3A_178 = arith.muli %reduce_max3A_176, %mul3A_177 : i32
      %multiple_of3A_179 = tpu.assume_multiple %mul3A_178, 128 : i32
      %dma_start3A_180 = arith.constant 5 : i32
      %dma_start3A_181 = arith.constant 0 : i32
      %dma_start3A_182 = arith.constant 0 : i32
      %dma_start3A_183 = tpu.memref_slice %arg6[%dma_start3A_180, %dma_start3A_181, %dma_start3A_182] : memref<16x16x128xf32, #tpu.memory_space<vmem>> -> memref<1x16x128xf32, #tpu.memory_space<vmem>>
      %dma_start3A_184 = tpu.memref_squeeze %dma_start3A_183 : memref<1x16x128xf32, #tpu.memory_space<vmem>> -> memref<16x128xf32, #tpu.memory_space<vmem>>
      %dma_start3A_185 = arith.constant 0 : i32
      %dma_start3A_186 = tpu.memref_slice %arg3[%dma_start3A_185, %multiple_of3A_179] : memref<16x1000000xf32, #tpu.memory_space<hbm>> -> memref<16x128xf32, #tpu.memory_space<hbm>>
      %dma_start3A_187 = arith.constant 0 : i32
      %dma_start3A_188 = arith.constant 0 : i32
      %dma_start3A_189 = tpu.memref_slice %arg6[%dma_start3A_180, %dma_start3A_187, %dma_start3A_188] : memref<16x16x128xf32, #tpu.memory_space<vmem>> -> memref<1x16x128xf32, #tpu.memory_space<vmem>>
      %dma_start3A_190 = tpu.memref_squeeze %dma_start3A_189 : memref<1x16x128xf32, #tpu.memory_space<vmem>> -> memref<16x128xf32, #tpu.memory_space<vmem>>
      %dma_start3A_191 = arith.constant 0 : i32
      %dma_start3A_192 = tpu.memref_slice %arg3[%dma_start3A_191, %multiple_of3A_179] : memref<16x1000000xf32, #tpu.memory_space<hbm>> -> memref<16x128xf32, #tpu.memory_space<hbm>>
      tpu.enqueue_dma source(%dma_start3A_192 : memref<16x128xf32, #tpu.memory_space<hbm>>) target(%dma_start3A_190 : memref<16x128xf32, #tpu.memory_space<vmem>>) target_semaphore(%arg9 : memref<!tpu.dma_semaphore, #tpu.memory_space<semaphore_mem>>)
      %eq3A_193 = arith.constant 6 : i32
      %eq3A_194 = vector.broadcast %eq3A_193 : i32 to vector<16xi32>
      %eq3A_195 = arith.cmpi eq, %iota3A, %eq3A_194 : vector<16xi32>
      %jit3A_196 = arith.constant 0 : i32
      %broadcast_in_dim3A_197 = vector.broadcast %jit3A_196 : i32 to vector<16xi32>
      %select_n3A_198 = arith.select %eq3A_195, %min3A_18, %broadcast_in_dim3A_197 : vector<16xi1>, vector<16xi32>
      %reduce_max3A_199 = arith.constant true
      %reduce_max3A_200 = vector.broadcast %reduce_max3A_199 : i1 to vector<16xi1>
      %reduce_max3A_201 = arith.constant -2147483648 : i32
      %reduce_max3A_202 = vector.broadcast %reduce_max3A_201 : i32 to vector<16xi32>
      %reduce_max3A_203 = arith.xori %select_n3A_198, %reduce_max3A_202 : vector<16xi32>
      %reduce_max3A_204 = tpu.scan <max>, %reduce_max3A_203 masked %reduce_max3A_200 : vector<16xi32>, vector<16xi1> -> vector<16xi32>
      %reduce_max3A_205 = arith.xori %reduce_max3A_204, %reduce_max3A_202 : vector<16xi32>
      %reduce_max3A_206 = vector.extract %reduce_max3A_205[15] : i32 from vector<16xi32>
      %mul3A_207 = arith.constant 128 : i32
      %mul3A_208 = arith.muli %reduce_max3A_206, %mul3A_207 : i32
      %multiple_of3A_209 = tpu.assume_multiple %mul3A_208, 128 : i32
      %dma_start3A_210 = arith.constant 6 : i32
      %dma_start3A_211 = arith.constant 0 : i32
      %dma_start3A_212 = arith.constant 0 : i32
      %dma_start3A_213 = tpu.memref_slice %arg6[%dma_start3A_210, %dma_start3A_211, %dma_start3A_212] : memref<16x16x128xf32, #tpu.memory_space<vmem>> -> memref<1x16x128xf32, #tpu.memory_space<vmem>>
      %dma_start3A_214 = tpu.memref_squeeze %dma_start3A_213 : memref<1x16x128xf32, #tpu.memory_space<vmem>> -> memref<16x128xf32, #tpu.memory_space<vmem>>
      %dma_start3A_215 = arith.constant 0 : i32
      %dma_start3A_216 = tpu.memref_slice %arg3[%dma_start3A_215, %multiple_of3A_209] : memref<16x1000000xf32, #tpu.memory_space<hbm>> -> memref<16x128xf32, #tpu.memory_space<hbm>>
      %dma_start3A_217 = arith.constant 0 : i32
      %dma_start3A_218 = arith.constant 0 : i32
      %dma_start3A_219 = tpu.memref_slice %arg6[%dma_start3A_210, %dma_start3A_217, %dma_start3A_218] : memref<16x16x128xf32, #tpu.memory_space<vmem>> -> memref<1x16x128xf32, #tpu.memory_space<vmem>>
      %dma_start3A_220 = tpu.memref_squeeze %dma_start3A_219 : memref<1x16x128xf32, #tpu.memory_space<vmem>> -> memref<16x128xf32, #tpu.memory_space<vmem>>
      %dma_start3A_221 = arith.constant 0 : i32
      %dma_start3A_222 = tpu.memref_slice %arg3[%dma_start3A_221, %multiple_of3A_209] : memref<16x1000000xf32, #tpu.memory_space<hbm>> -> memref<16x128xf32, #tpu.memory_space<hbm>>
      tpu.enqueue_dma source(%dma_start3A_222 : memref<16x128xf32, #tpu.memory_space<hbm>>) target(%dma_start3A_220 : memref<16x128xf32, #tpu.memory_space<vmem>>) target_semaphore(%arg9 : memref<!tpu.dma_semaphore, #tpu.memory_space<semaphore_mem>>)
      %eq3A_223 = arith.constant 7 : i32
      %eq3A_224 = vector.broadcast %eq3A_223 : i32 to vector<16xi32>
      %eq3A_225 = arith.cmpi eq, %iota3A, %eq3A_224 : vector<16xi32>
      %jit3A_226 = arith.constant 0 : i32
      %broadcast_in_dim3A_227 = vector.broadcast %jit3A_226 : i32 to vector<16xi32>
      %select_n3A_228 = arith.select %eq3A_225, %min3A_18, %broadcast_in_dim3A_227 : vector<16xi1>, vector<16xi32>
      %reduce_max3A_229 = arith.constant true
      %reduce_max3A_230 = vector.broadcast %reduce_max3A_229 : i1 to vector<16xi1>
      %reduce_max3A_231 = arith.constant -2147483648 : i32
      %reduce_max3A_232 = vector.broadcast %reduce_max3A_231 : i32 to vector<16xi32>
      %reduce_max3A_233 = arith.xori %select_n3A_228, %reduce_max3A_232 : vector<16xi32>
      %reduce_max3A_234 = tpu.scan <max>, %reduce_max3A_233 masked %reduce_max3A_230 : vector<16xi32>, vector<16xi1> -> vector<16xi32>
      %reduce_max3A_235 = arith.xori %reduce_max3A_234, %reduce_max3A_232 : vector<16xi32>
      %reduce_max3A_236 = vector.extract %reduce_max3A_235[15] : i32 from vector<16xi32>
      %mul3A_237 = arith.constant 128 : i32
      %mul3A_238 = arith.muli %reduce_max3A_236, %mul3A_237 : i32
      %multiple_of3A_239 = tpu.assume_multiple %mul3A_238, 128 : i32
      %dma_start3A_240 = arith.constant 7 : i32
      %dma_start3A_241 = arith.constant 0 : i32
      %dma_start3A_242 = arith.constant 0 : i32
      %dma_start3A_243 = tpu.memref_slice %arg6[%dma_start3A_240, %dma_start3A_241, %dma_start3A_242] : memref<16x16x128xf32, #tpu.memory_space<vmem>> -> memref<1x16x128xf32, #tpu.memory_space<vmem>>
      %dma_start3A_244 = tpu.memref_squeeze %dma_start3A_243 : memref<1x16x128xf32, #tpu.memory_space<vmem>> -> memref<16x128xf32, #tpu.memory_space<vmem>>
      %dma_start3A_245 = arith.constant 0 : i32
      %dma_start3A_246 = tpu.memref_slice %arg3[%dma_start3A_245, %multiple_of3A_239] : memref<16x1000000xf32, #tpu.memory_space<hbm>> -> memref<16x128xf32, #tpu.memory_space<hbm>>
      %dma_start3A_247 = arith.constant 0 : i32
      %dma_start3A_248 = arith.constant 0 : i32
      %dma_start3A_249 = tpu.memref_slice %arg6[%dma_start3A_240, %dma_start3A_247, %dma_start3A_248] : memref<16x16x128xf32, #tpu.memory_space<vmem>> -> memref<1x16x128xf32, #tpu.memory_space<vmem>>
      %dma_start3A_250 = tpu.memref_squeeze %dma_start3A_249 : memref<1x16x128xf32, #tpu.memory_space<vmem>> -> memref<16x128xf32, #tpu.memory_space<vmem>>
      %dma_start3A_251 = arith.constant 0 : i32
      %dma_start3A_252 = tpu.memref_slice %arg3[%dma_start3A_251, %multiple_of3A_239] : memref<16x1000000xf32, #tpu.memory_space<hbm>> -> memref<16x128xf32, #tpu.memory_space<hbm>>
      tpu.enqueue_dma source(%dma_start3A_252 : memref<16x128xf32, #tpu.memory_space<hbm>>) target(%dma_start3A_250 : memref<16x128xf32, #tpu.memory_space<vmem>>) target_semaphore(%arg9 : memref<!tpu.dma_semaphore, #tpu.memory_space<semaphore_mem>>)
      %eq3A_253 = arith.constant 8 : i32
      %eq3A_254 = vector.broadcast %eq3A_253 : i32 to vector<16xi32>
      %eq3A_255 = arith.cmpi eq, %iota3A, %eq3A_254 : vector<16xi32>
      %jit3A_256 = arith.constant 0 : i32
      %broadcast_in_dim3A_257 = vector.broadcast %jit3A_256 : i32 to vector<16xi32>
      %select_n3A_258 = arith.select %eq3A_255, %min3A_18, %broadcast_in_dim3A_257 : vector<16xi1>, vector<16xi32>
      %reduce_max3A_259 = arith.constant true
      %reduce_max3A_260 = vector.broadcast %reduce_max3A_259 : i1 to vector<16xi1>
      %reduce_max3A_261 = arith.constant -2147483648 : i32
      %reduce_max3A_262 = vector.broadcast %reduce_max3A_261 : i32 to vector<16xi32>
      %reduce_max3A_263 = arith.xori %select_n3A_258, %reduce_max3A_262 : vector<16xi32>
      %reduce_max3A_264 = tpu.scan <max>, %reduce_max3A_263 masked %reduce_max3A_260 : vector<16xi32>, vector<16xi1> -> vector<16xi32>
      %reduce_max3A_265 = arith.xori %reduce_max3A_264, %reduce_max3A_262 : vector<16xi32>
      %reduce_max3A_266 = vector.extract %reduce_max3A_265[15] : i32 from vector<16xi32>
      %mul3A_267 = arith.constant 128 : i32
      %mul3A_268 = arith.muli %reduce_max3A_266, %mul3A_267 : i32
      %multiple_of3A_269 = tpu.assume_multiple %mul3A_268, 128 : i32
      %dma_start3A_270 = arith.constant 8 : i32
      %dma_start3A_271 = arith.constant 0 : i32
      %dma_start3A_272 = arith.constant 0 : i32
      %dma_start3A_273 = tpu.memref_slice %arg6[%dma_start3A_270, %dma_start3A_271, %dma_start3A_272] : memref<16x16x128xf32, #tpu.memory_space<vmem>> -> memref<1x16x128xf32, #tpu.memory_space<vmem>>
      %dma_start3A_274 = tpu.memref_squeeze %dma_start3A_273 : memref<1x16x128xf32, #tpu.memory_space<vmem>> -> memref<16x128xf32, #tpu.memory_space<vmem>>
      %dma_start3A_275 = arith.constant 0 : i32
      %dma_start3A_276 = tpu.memref_slice %arg3[%dma_start3A_275, %multiple_of3A_269] : memref<16x1000000xf32, #tpu.memory_space<hbm>> -> memref<16x128xf32, #tpu.memory_space<hbm>>
      %dma_start3A_277 = arith.constant 0 : i32
      %dma_start3A_278 = arith.constant 0 : i32
      %dma_start3A_279 = tpu.memref_slice %arg6[%dma_start3A_270, %dma_start3A_277, %dma_start3A_278] : memref<16x16x128xf32, #tpu.memory_space<vmem>> -> memref<1x16x128xf32, #tpu.memory_space<vmem>>
      %dma_start3A_280 = tpu.memref_squeeze %dma_start3A_279 : memref<1x16x128xf32, #tpu.memory_space<vmem>> -> memref<16x128xf32, #tpu.memory_space<vmem>>
      %dma_start3A_281 = arith.constant 0 : i32
      %dma_start3A_282 = tpu.memref_slice %arg3[%dma_start3A_281, %multiple_of3A_269] : memref<16x1000000xf32, #tpu.memory_space<hbm>> -> memref<16x128xf32, #tpu.memory_space<hbm>>
      tpu.enqueue_dma source(%dma_start3A_282 : memref<16x128xf32, #tpu.memory_space<hbm>>) target(%dma_start3A_280 : memref<16x128xf32, #tpu.memory_space<vmem>>) target_semaphore(%arg9 : memref<!tpu.dma_semaphore, #tpu.memory_space<semaphore_mem>>)
      %eq3A_283 = arith.constant 9 : i32
      %eq3A_284 = vector.broadcast %eq3A_283 : i32 to vector<16xi32>
      %eq3A_285 = arith.cmpi eq, %iota3A, %eq3A_284 : vector<16xi32>
      %jit3A_286 = arith.constant 0 : i32
      %broadcast_in_dim3A_287 = vector.broadcast %jit3A_286 : i32 to vector<16xi32>
      %select_n3A_288 = arith.select %eq3A_285, %min3A_18, %broadcast_in_dim3A_287 : vector<16xi1>, vector<16xi32>
      %reduce_max3A_289 = arith.constant true
      %reduce_max3A_290 = vector.broadcast %reduce_max3A_289 : i1 to vector<16xi1>
      %reduce_max3A_291 = arith.constant -2147483648 : i32
      %reduce_max3A_292 = vector.broadcast %reduce_max3A_291 : i32 to vector<16xi32>
      %reduce_max3A_293 = arith.xori %select_n3A_288, %reduce_max3A_292 : vector<16xi32>
      %reduce_max3A_294 = tpu.scan <max>, %reduce_max3A_293 masked %reduce_max3A_290 : vector<16xi32>, vector<16xi1> -> vector<16xi32>
      %reduce_max3A_295 = arith.xori %reduce_max3A_294, %reduce_max3A_292 : vector<16xi32>
      %reduce_max3A_296 = vector.extract %reduce_max3A_295[15] : i32 from vector<16xi32>
      %mul3A_297 = arith.constant 128 : i32
      %mul3A_298 = arith.muli %reduce_max3A_296, %mul3A_297 : i32
      %multiple_of3A_299 = tpu.assume_multiple %mul3A_298, 128 : i32
      %dma_start3A_300 = arith.constant 9 : i32
      %dma_start3A_301 = arith.constant 0 : i32
      %dma_start3A_302 = arith.constant 0 : i32
      %dma_start3A_303 = tpu.memref_slice %arg6[%dma_start3A_300, %dma_start3A_301, %dma_start3A_302] : memref<16x16x128xf32, #tpu.memory_space<vmem>> -> memref<1x16x128xf32, #tpu.memory_space<vmem>>
      %dma_start3A_304 = tpu.memref_squeeze %dma_start3A_303 : memref<1x16x128xf32, #tpu.memory_space<vmem>> -> memref<16x128xf32, #tpu.memory_space<vmem>>
      %dma_start3A_305 = arith.constant 0 : i32
      %dma_start3A_306 = tpu.memref_slice %arg3[%dma_start3A_305, %multiple_of3A_299] : memref<16x1000000xf32, #tpu.memory_space<hbm>> -> memref<16x128xf32, #tpu.memory_space<hbm>>
      %dma_start3A_307 = arith.constant 0 : i32
      %dma_start3A_308 = arith.constant 0 : i32
      %dma_start3A_309 = tpu.memref_slice %arg6[%dma_start3A_300, %dma_start3A_307, %dma_start3A_308] : memref<16x16x128xf32, #tpu.memory_space<vmem>> -> memref<1x16x128xf32, #tpu.memory_space<vmem>>
      %dma_start3A_310 = tpu.memref_squeeze %dma_start3A_309 : memref<1x16x128xf32, #tpu.memory_space<vmem>> -> memref<16x128xf32, #tpu.memory_space<vmem>>
      %dma_start3A_311 = arith.constant 0 : i32
      %dma_start3A_312 = tpu.memref_slice %arg3[%dma_start3A_311, %multiple_of3A_299] : memref<16x1000000xf32, #tpu.memory_space<hbm>> -> memref<16x128xf32, #tpu.memory_space<hbm>>
      tpu.enqueue_dma source(%dma_start3A_312 : memref<16x128xf32, #tpu.memory_space<hbm>>) target(%dma_start3A_310 : memref<16x128xf32, #tpu.memory_space<vmem>>) target_semaphore(%arg9 : memref<!tpu.dma_semaphore, #tpu.memory_space<semaphore_mem>>)
      %eq3A_313 = arith.constant 10 : i32
      %eq3A_314 = vector.broadcast %eq3A_313 : i32 to vector<16xi32>
      %eq3A_315 = arith.cmpi eq, %iota3A, %eq3A_314 : vector<16xi32>
      %jit3A_316 = arith.constant 0 : i32
      %broadcast_in_dim3A_317 = vector.broadcast %jit3A_316 : i32 to vector<16xi32>
      %select_n3A_318 = arith.select %eq3A_315, %min3A_18, %broadcast_in_dim3A_317 : vector<16xi1>, vector<16xi32>
      %reduce_max3A_319 = arith.constant true
      %reduce_max3A_320 = vector.broadcast %reduce_max3A_319 : i1 to vector<16xi1>
      %reduce_max3A_321 = arith.constant -2147483648 : i32
      %reduce_max3A_322 = vector.broadcast %reduce_max3A_321 : i32 to vector<16xi32>
      %reduce_max3A_323 = arith.xori %select_n3A_318, %reduce_max3A_322 : vector<16xi32>
      %reduce_max3A_324 = tpu.scan <max>, %reduce_max3A_323 masked %reduce_max3A_320 : vector<16xi32>, vector<16xi1> -> vector<16xi32>
      %reduce_max3A_325 = arith.xori %reduce_max3A_324, %reduce_max3A_322 : vector<16xi32>
      %reduce_max3A_326 = vector.extract %reduce_max3A_325[15] : i32 from vector<16xi32>
      %mul3A_327 = arith.constant 128 : i32
      %mul3A_328 = arith.muli %reduce_max3A_326, %mul3A_327 : i32
      %multiple_of3A_329 = tpu.assume_multiple %mul3A_328, 128 : i32
      %dma_start3A_330 = arith.constant 10 : i32
      %dma_start3A_331 = arith.constant 0 : i32
      %dma_start3A_332 = arith.constant 0 : i32
      %dma_start3A_333 = tpu.memref_slice %arg6[%dma_start3A_330, %dma_start3A_331, %dma_start3A_332] : memref<16x16x128xf32, #tpu.memory_space<vmem>> -> memref<1x16x128xf32, #tpu.memory_space<vmem>>
      %dma_start3A_334 = tpu.memref_squeeze %dma_start3A_333 : memref<1x16x128xf32, #tpu.memory_space<vmem>> -> memref<16x128xf32, #tpu.memory_space<vmem>>
      %dma_start3A_335 = arith.constant 0 : i32
      %dma_start3A_336 = tpu.memref_slice %arg3[%dma_start3A_335, %multiple_of3A_329] : memref<16x1000000xf32, #tpu.memory_space<hbm>> -> memref<16x128xf32, #tpu.memory_space<hbm>>
      %dma_start3A_337 = arith.constant 0 : i32
      %dma_start3A_338 = arith.constant 0 : i32
      %dma_start3A_339 = tpu.memref_slice %arg6[%dma_start3A_330, %dma_start3A_337, %dma_start3A_338] : memref<16x16x128xf32, #tpu.memory_space<vmem>> -> memref<1x16x128xf32, #tpu.memory_space<vmem>>
      %dma_start3A_340 = tpu.memref_squeeze %dma_start3A_339 : memref<1x16x128xf32, #tpu.memory_space<vmem>> -> memref<16x128xf32, #tpu.memory_space<vmem>>
      %dma_start3A_341 = arith.constant 0 : i32
      %dma_start3A_342 = tpu.memref_slice %arg3[%dma_start3A_341, %multiple_of3A_329] : memref<16x1000000xf32, #tpu.memory_space<hbm>> -> memref<16x128xf32, #tpu.memory_space<hbm>>
      tpu.enqueue_dma source(%dma_start3A_342 : memref<16x128xf32, #tpu.memory_space<hbm>>) target(%dma_start3A_340 : memref<16x128xf32, #tpu.memory_space<vmem>>) target_semaphore(%arg9 : memref<!tpu.dma_semaphore, #tpu.memory_space<semaphore_mem>>)
      %eq3A_343 = arith.constant 11 : i32
      %eq3A_344 = vector.broadcast %eq3A_343 : i32 to vector<16xi32>
      %eq3A_345 = arith.cmpi eq, %iota3A, %eq3A_344 : vector<16xi32>
      %jit3A_346 = arith.constant 0 : i32
      %broadcast_in_dim3A_347 = vector.broadcast %jit3A_346 : i32 to vector<16xi32>
      %select_n3A_348 = arith.select %eq3A_345, %min3A_18, %broadcast_in_dim3A_347 : vector<16xi1>, vector<16xi32>
      %reduce_max3A_349 = arith.constant true
      %reduce_max3A_350 = vector.broadcast %reduce_max3A_349 : i1 to vector<16xi1>
      %reduce_max3A_351 = arith.constant -2147483648 : i32
      %reduce_max3A_352 = vector.broadcast %reduce_max3A_351 : i32 to vector<16xi32>
      %reduce_max3A_353 = arith.xori %select_n3A_348, %reduce_max3A_352 : vector<16xi32>
      %reduce_max3A_354 = tpu.scan <max>, %reduce_max3A_353 masked %reduce_max3A_350 : vector<16xi32>, vector<16xi1> -> vector<16xi32>
      %reduce_max3A_355 = arith.xori %reduce_max3A_354, %reduce_max3A_352 : vector<16xi32>
      %reduce_max3A_356 = vector.extract %reduce_max3A_355[15] : i32 from vector<16xi32>
      %mul3A_357 = arith.constant 128 : i32
      %mul3A_358 = arith.muli %reduce_max3A_356, %mul3A_357 : i32
      %multiple_of3A_359 = tpu.assume_multiple %mul3A_358, 128 : i32
      %dma_start3A_360 = arith.constant 11 : i32
      %dma_start3A_361 = arith.constant 0 : i32
      %dma_start3A_362 = arith.constant 0 : i32
      %dma_start3A_363 = tpu.memref_slice %arg6[%dma_start3A_360, %dma_start3A_361, %dma_start3A_362] : memref<16x16x128xf32, #tpu.memory_space<vmem>> -> memref<1x16x128xf32, #tpu.memory_space<vmem>>
      %dma_start3A_364 = tpu.memref_squeeze %dma_start3A_363 : memref<1x16x128xf32, #tpu.memory_space<vmem>> -> memref<16x128xf32, #tpu.memory_space<vmem>>
      %dma_start3A_365 = arith.constant 0 : i32
      %dma_start3A_366 = tpu.memref_slice %arg3[%dma_start3A_365, %multiple_of3A_359] : memref<16x1000000xf32, #tpu.memory_space<hbm>> -> memref<16x128xf32, #tpu.memory_space<hbm>>
      %dma_start3A_367 = arith.constant 0 : i32
      %dma_start3A_368 = arith.constant 0 : i32
      %dma_start3A_369 = tpu.memref_slice %arg6[%dma_start3A_360, %dma_start3A_367, %dma_start3A_368] : memref<16x16x128xf32, #tpu.memory_space<vmem>> -> memref<1x16x128xf32, #tpu.memory_space<vmem>>
      %dma_start3A_370 = tpu.memref_squeeze %dma_start3A_369 : memref<1x16x128xf32, #tpu.memory_space<vmem>> -> memref<16x128xf32, #tpu.memory_space<vmem>>
      %dma_start3A_371 = arith.constant 0 : i32
      %dma_start3A_372 = tpu.memref_slice %arg3[%dma_start3A_371, %multiple_of3A_359] : memref<16x1000000xf32, #tpu.memory_space<hbm>> -> memref<16x128xf32, #tpu.memory_space<hbm>>
      tpu.enqueue_dma source(%dma_start3A_372 : memref<16x128xf32, #tpu.memory_space<hbm>>) target(%dma_start3A_370 : memref<16x128xf32, #tpu.memory_space<vmem>>) target_semaphore(%arg9 : memref<!tpu.dma_semaphore, #tpu.memory_space<semaphore_mem>>)
      %eq3A_373 = arith.constant 12 : i32
      %eq3A_374 = vector.broadcast %eq3A_373 : i32 to vector<16xi32>
      %eq3A_375 = arith.cmpi eq, %iota3A, %eq3A_374 : vector<16xi32>
      %jit3A_376 = arith.constant 0 : i32
      %broadcast_in_dim3A_377 = vector.broadcast %jit3A_376 : i32 to vector<16xi32>
      %select_n3A_378 = arith.select %eq3A_375, %min3A_18, %broadcast_in_dim3A_377 : vector<16xi1>, vector<16xi32>
      %reduce_max3A_379 = arith.constant true
      %reduce_max3A_380 = vector.broadcast %reduce_max3A_379 : i1 to vector<16xi1>
      %reduce_max3A_381 = arith.constant -2147483648 : i32
      %reduce_max3A_382 = vector.broadcast %reduce_max3A_381 : i32 to vector<16xi32>
      %reduce_max3A_383 = arith.xori %select_n3A_378, %reduce_max3A_382 : vector<16xi32>
      %reduce_max3A_384 = tpu.scan <max>, %reduce_max3A_383 masked %reduce_max3A_380 : vector<16xi32>, vector<16xi1> -> vector<16xi32>
      %reduce_max3A_385 = arith.xori %reduce_max3A_384, %reduce_max3A_382 : vector<16xi32>
      %reduce_max3A_386 = vector.extract %reduce_max3A_385[15] : i32 from vector<16xi32>
      %mul3A_387 = arith.constant 128 : i32
      %mul3A_388 = arith.muli %reduce_max3A_386, %mul3A_387 : i32
      %multiple_of3A_389 = tpu.assume_multiple %mul3A_388, 128 : i32
      %dma_start3A_390 = arith.constant 12 : i32
      %dma_start3A_391 = arith.constant 0 : i32
      %dma_start3A_392 = arith.constant 0 : i32
      %dma_start3A_393 = tpu.memref_slice %arg6[%dma_start3A_390, %dma_start3A_391, %dma_start3A_392] : memref<16x16x128xf32, #tpu.memory_space<vmem>> -> memref<1x16x128xf32, #tpu.memory_space<vmem>>
      %dma_start3A_394 = tpu.memref_squeeze %dma_start3A_393 : memref<1x16x128xf32, #tpu.memory_space<vmem>> -> memref<16x128xf32, #tpu.memory_space<vmem>>
      %dma_start3A_395 = arith.constant 0 : i32
      %dma_start3A_396 = tpu.memref_slice %arg3[%dma_start3A_395, %multiple_of3A_389] : memref<16x1000000xf32, #tpu.memory_space<hbm>> -> memref<16x128xf32, #tpu.memory_space<hbm>>
      %dma_start3A_397 = arith.constant 0 : i32
      %dma_start3A_398 = arith.constant 0 : i32
      %dma_start3A_399 = tpu.memref_slice %arg6[%dma_start3A_390, %dma_start3A_397, %dma_start3A_398] : memref<16x16x128xf32, #tpu.memory_space<vmem>> -> memref<1x16x128xf32, #tpu.memory_space<vmem>>
      %dma_start3A_400 = tpu.memref_squeeze %dma_start3A_399 : memref<1x16x128xf32, #tpu.memory_space<vmem>> -> memref<16x128xf32, #tpu.memory_space<vmem>>
      %dma_start3A_401 = arith.constant 0 : i32
      %dma_start3A_402 = tpu.memref_slice %arg3[%dma_start3A_401, %multiple_of3A_389] : memref<16x1000000xf32, #tpu.memory_space<hbm>> -> memref<16x128xf32, #tpu.memory_space<hbm>>
      tpu.enqueue_dma source(%dma_start3A_402 : memref<16x128xf32, #tpu.memory_space<hbm>>) target(%dma_start3A_400 : memref<16x128xf32, #tpu.memory_space<vmem>>) target_semaphore(%arg9 : memref<!tpu.dma_semaphore, #tpu.memory_space<semaphore_mem>>)
      %eq3A_403 = arith.constant 13 : i32
      %eq3A_404 = vector.broadcast %eq3A_403 : i32 to vector<16xi32>
      %eq3A_405 = arith.cmpi eq, %iota3A, %eq3A_404 : vector<16xi32>
      %jit3A_406 = arith.constant 0 : i32
      %broadcast_in_dim3A_407 = vector.broadcast %jit3A_406 : i32 to vector<16xi32>
      %select_n3A_408 = arith.select %eq3A_405, %min3A_18, %broadcast_in_dim3A_407 : vector<16xi1>, vector<16xi32>
      %reduce_max3A_409 = arith.constant true
      %reduce_max3A_410 = vector.broadcast %reduce_max3A_409 : i1 to vector<16xi1>
      %reduce_max3A_411 = arith.constant -2147483648 : i32
      %reduce_max3A_412 = vector.broadcast %reduce_max3A_411 : i32 to vector<16xi32>
      %reduce_max3A_413 = arith.xori %select_n3A_408, %reduce_max3A_412 : vector<16xi32>
      %reduce_max3A_414 = tpu.scan <max>, %reduce_max3A_413 masked %reduce_max3A_410 : vector<16xi32>, vector<16xi1> -> vector<16xi32>
      %reduce_max3A_415 = arith.xori %reduce_max3A_414, %reduce_max3A_412 : vector<16xi32>
      %reduce_max3A_416 = vector.extract %reduce_max3A_415[15] : i32 from vector<16xi32>
      %mul3A_417 = arith.constant 128 : i32
      %mul3A_418 = arith.muli %reduce_max3A_416, %mul3A_417 : i32
      %multiple_of3A_419 = tpu.assume_multiple %mul3A_418, 128 : i32
      %dma_start3A_420 = arith.constant 13 : i32
      %dma_start3A_421 = arith.constant 0 : i32
      %dma_start3A_422 = arith.constant 0 : i32
      %dma_start3A_423 = tpu.memref_slice %arg6[%dma_start3A_420, %dma_start3A_421, %dma_start3A_422] : memref<16x16x128xf32, #tpu.memory_space<vmem>> -> memref<1x16x128xf32, #tpu.memory_space<vmem>>
      %dma_start3A_424 = tpu.memref_squeeze %dma_start3A_423 : memref<1x16x128xf32, #tpu.memory_space<vmem>> -> memref<16x128xf32, #tpu.memory_space<vmem>>
      %dma_start3A_425 = arith.constant 0 : i32
      %dma_start3A_426 = tpu.memref_slice %arg3[%dma_start3A_425, %multiple_of3A_419] : memref<16x1000000xf32, #tpu.memory_space<hbm>> -> memref<16x128xf32, #tpu.memory_space<hbm>>
      %dma_start3A_427 = arith.constant 0 : i32
      %dma_start3A_428 = arith.constant 0 : i32
      %dma_start3A_429 = tpu.memref_slice %arg6[%dma_start3A_420, %dma_start3A_427, %dma_start3A_428] : memref<16x16x128xf32, #tpu.memory_space<vmem>> -> memref<1x16x128xf32, #tpu.memory_space<vmem>>
      %dma_start3A_430 = tpu.memref_squeeze %dma_start3A_429 : memref<1x16x128xf32, #tpu.memory_space<vmem>> -> memref<16x128xf32, #tpu.memory_space<vmem>>
      %dma_start3A_431 = arith.constant 0 : i32
      %dma_start3A_432 = tpu.memref_slice %arg3[%dma_start3A_431, %multiple_of3A_419] : memref<16x1000000xf32, #tpu.memory_space<hbm>> -> memref<16x128xf32, #tpu.memory_space<hbm>>
      tpu.enqueue_dma source(%dma_start3A_432 : memref<16x128xf32, #tpu.memory_space<hbm>>) target(%dma_start3A_430 : memref<16x128xf32, #tpu.memory_space<vmem>>) target_semaphore(%arg9 : memref<!tpu.dma_semaphore, #tpu.memory_space<semaphore_mem>>)
      %eq3A_433 = arith.constant 14 : i32
      %eq3A_434 = vector.broadcast %eq3A_433 : i32 to vector<16xi32>
      %eq3A_435 = arith.cmpi eq, %iota3A, %eq3A_434 : vector<16xi32>
      %jit3A_436 = arith.constant 0 : i32
      %broadcast_in_dim3A_437 = vector.broadcast %jit3A_436 : i32 to vector<16xi32>
      %select_n3A_438 = arith.select %eq3A_435, %min3A_18, %broadcast_in_dim3A_437 : vector<16xi1>, vector<16xi32>
      %reduce_max3A_439 = arith.constant true
      %reduce_max3A_440 = vector.broadcast %reduce_max3A_439 : i1 to vector<16xi1>
      %reduce_max3A_441 = arith.constant -2147483648 : i32
      %reduce_max3A_442 = vector.broadcast %reduce_max3A_441 : i32 to vector<16xi32>
      %reduce_max3A_443 = arith.xori %select_n3A_438, %reduce_max3A_442 : vector<16xi32>
      %reduce_max3A_444 = tpu.scan <max>, %reduce_max3A_443 masked %reduce_max3A_440 : vector<16xi32>, vector<16xi1> -> vector<16xi32>
      %reduce_max3A_445 = arith.xori %reduce_max3A_444, %reduce_max3A_442 : vector<16xi32>
      %reduce_max3A_446 = vector.extract %reduce_max3A_445[15] : i32 from vector<16xi32>
      %mul3A_447 = arith.constant 128 : i32
      %mul3A_448 = arith.muli %reduce_max3A_446, %mul3A_447 : i32
      %multiple_of3A_449 = tpu.assume_multiple %mul3A_448, 128 : i32
      %dma_start3A_450 = arith.constant 14 : i32
      %dma_start3A_451 = arith.constant 0 : i32
      %dma_start3A_452 = arith.constant 0 : i32
      %dma_start3A_453 = tpu.memref_slice %arg6[%dma_start3A_450, %dma_start3A_451, %dma_start3A_452] : memref<16x16x128xf32, #tpu.memory_space<vmem>> -> memref<1x16x128xf32, #tpu.memory_space<vmem>>
      %dma_start3A_454 = tpu.memref_squeeze %dma_start3A_453 : memref<1x16x128xf32, #tpu.memory_space<vmem>> -> memref<16x128xf32, #tpu.memory_space<vmem>>
      %dma_start3A_455 = arith.constant 0 : i32
      %dma_start3A_456 = tpu.memref_slice %arg3[%dma_start3A_455, %multiple_of3A_449] : memref<16x1000000xf32, #tpu.memory_space<hbm>> -> memref<16x128xf32, #tpu.memory_space<hbm>>
      %dma_start3A_457 = arith.constant 0 : i32
      %dma_start3A_458 = arith.constant 0 : i32
      %dma_start3A_459 = tpu.memref_slice %arg6[%dma_start3A_450, %dma_start3A_457, %dma_start3A_458] : memref<16x16x128xf32, #tpu.memory_space<vmem>> -> memref<1x16x128xf32, #tpu.memory_space<vmem>>
      %dma_start3A_460 = tpu.memref_squeeze %dma_start3A_459 : memref<1x16x128xf32, #tpu.memory_space<vmem>> -> memref<16x128xf32, #tpu.memory_space<vmem>>
      %dma_start3A_461 = arith.constant 0 : i32
      %dma_start3A_462 = tpu.memref_slice %arg3[%dma_start3A_461, %multiple_of3A_449] : memref<16x1000000xf32, #tpu.memory_space<hbm>> -> memref<16x128xf32, #tpu.memory_space<hbm>>
      tpu.enqueue_dma source(%dma_start3A_462 : memref<16x128xf32, #tpu.memory_space<hbm>>) target(%dma_start3A_460 : memref<16x128xf32, #tpu.memory_space<vmem>>) target_semaphore(%arg9 : memref<!tpu.dma_semaphore, #tpu.memory_space<semaphore_mem>>)
      %eq3A_463 = arith.constant 15 : i32
      %eq3A_464 = vector.broadcast %eq3A_463 : i32 to vector<16xi32>
      %eq3A_465 = arith.cmpi eq, %iota3A, %eq3A_464 : vector<16xi32>
      %jit3A_466 = arith.constant 0 : i32
      %broadcast_in_dim3A_467 = vector.broadcast %jit3A_466 : i32 to vector<16xi32>
      %select_n3A_468 = arith.select %eq3A_465, %min3A_18, %broadcast_in_dim3A_467 : vector<16xi1>, vector<16xi32>
      %reduce_max3A_469 = arith.constant true
      %reduce_max3A_470 = vector.broadcast %reduce_max3A_469 : i1 to vector<16xi1>
      %reduce_max3A_471 = arith.constant -2147483648 : i32
      %reduce_max3A_472 = vector.broadcast %reduce_max3A_471 : i32 to vector<16xi32>
      %reduce_max3A_473 = arith.xori %select_n3A_468, %reduce_max3A_472 : vector<16xi32>
      %reduce_max3A_474 = tpu.scan <max>, %reduce_max3A_473 masked %reduce_max3A_470 : vector<16xi32>, vector<16xi1> -> vector<16xi32>
      %reduce_max3A_475 = arith.xori %reduce_max3A_474, %reduce_max3A_472 : vector<16xi32>
      %reduce_max3A_476 = vector.extract %reduce_max3A_475[15] : i32 from vector<16xi32>
      %mul3A_477 = arith.constant 128 : i32
      %mul3A_478 = arith.muli %reduce_max3A_476, %mul3A_477 : i32
      %multiple_of3A_479 = tpu.assume_multiple %mul3A_478, 128 : i32
      %dma_start3A_480 = arith.constant 15 : i32
      %dma_start3A_481 = arith.constant 0 : i32
      %dma_start3A_482 = arith.constant 0 : i32
      %dma_start3A_483 = tpu.memref_slice %arg6[%dma_start3A_480, %dma_start3A_481, %dma_start3A_482] : memref<16x16x128xf32, #tpu.memory_space<vmem>> -> memref<1x16x128xf32, #tpu.memory_space<vmem>>
      %dma_start3A_484 = tpu.memref_squeeze %dma_start3A_483 : memref<1x16x128xf32, #tpu.memory_space<vmem>> -> memref<16x128xf32, #tpu.memory_space<vmem>>
      %dma_start3A_485 = arith.constant 0 : i32
      %dma_start3A_486 = tpu.memref_slice %arg3[%dma_start3A_485, %multiple_of3A_479] : memref<16x1000000xf32, #tpu.memory_space<hbm>> -> memref<16x128xf32, #tpu.memory_space<hbm>>
      %dma_start3A_487 = arith.constant 0 : i32
      %dma_start3A_488 = arith.constant 0 : i32
      %dma_start3A_489 = tpu.memref_slice %arg6[%dma_start3A_480, %dma_start3A_487, %dma_start3A_488] : memref<16x16x128xf32, #tpu.memory_space<vmem>> -> memref<1x16x128xf32, #tpu.memory_space<vmem>>
      %dma_start3A_490 = tpu.memref_squeeze %dma_start3A_489 : memref<1x16x128xf32, #tpu.memory_space<vmem>> -> memref<16x128xf32, #tpu.memory_space<vmem>>
      %dma_start3A_491 = arith.constant 0 : i32
      %dma_start3A_492 = tpu.memref_slice %arg3[%dma_start3A_491, %multiple_of3A_479] : memref<16x1000000xf32, #tpu.memory_space<hbm>> -> memref<16x128xf32, #tpu.memory_space<hbm>>
      tpu.enqueue_dma source(%dma_start3A_492 : memref<16x128xf32, #tpu.memory_space<hbm>>) target(%dma_start3A_490 : memref<16x128xf32, #tpu.memory_space<vmem>>) target_semaphore(%arg9 : memref<!tpu.dma_semaphore, #tpu.memory_space<semaphore_mem>>)
      %dma_wait3A = arith.constant 0 : i32
      %dma_wait3A_493 = arith.constant 0 : i32
      %dma_wait3A_494 = arith.constant 0 : i32
      %dma_wait3A_495 = tpu.memref_slice %arg6[%dma_wait3A, %dma_wait3A_493, %dma_wait3A_494] : memref<16x16x128xf32, #tpu.memory_space<vmem>> -> memref<1x16x128xf32, #tpu.memory_space<vmem>>
      %dma_wait3A_496 = tpu.memref_squeeze %dma_wait3A_495 : memref<1x16x128xf32, #tpu.memory_space<vmem>> -> memref<16x128xf32, #tpu.memory_space<vmem>>
      %dma_wait3A_497 = arith.constant 0 : i32
      %dma_wait3A_498 = tpu.memref_slice %arg3[%dma_wait3A_497, %multiple_of3A] : memref<16x1000000xf32, #tpu.memory_space<hbm>> -> memref<16x128xf32, #tpu.memory_space<hbm>>
      %dma_wait3A_499 = arith.constant 0 : i32
      %dma_wait3A_500 = arith.constant 0 : i32
      %dma_wait3A_501 = tpu.memref_slice %arg6[%dma_wait3A, %dma_wait3A_499, %dma_wait3A_500] : memref<16x16x128xf32, #tpu.memory_space<vmem>> -> memref<1x16x128xf32, #tpu.memory_space<vmem>>
      %dma_wait3A_502 = tpu.memref_squeeze %dma_wait3A_501 : memref<1x16x128xf32, #tpu.memory_space<vmem>> -> memref<16x128xf32, #tpu.memory_space<vmem>>
      %dma_wait3A_503 = arith.constant 0 : i32
      %dma_wait3A_504 = tpu.memref_slice %arg3[%dma_wait3A_503, %multiple_of3A] : memref<16x1000000xf32, #tpu.memory_space<hbm>> -> memref<16x128xf32, #tpu.memory_space<hbm>>
      tpu.wait_dma2 semaphore(%arg9 : memref<!tpu.dma_semaphore, #tpu.memory_space<semaphore_mem>>) src(%dma_wait3A_504 : memref<16x128xf32, #tpu.memory_space<hbm>>) dst(%dma_wait3A_502 : memref<16x128xf32, #tpu.memory_space<vmem>>)
      %dma_wait3A_505 = arith.constant 1 : i32
      %dma_wait3A_506 = arith.constant 0 : i32
      %dma_wait3A_507 = arith.constant 0 : i32
      %dma_wait3A_508 = tpu.memref_slice %arg6[%dma_wait3A_505, %dma_wait3A_506, %dma_wait3A_507] : memref<16x16x128xf32, #tpu.memory_space<vmem>> -> memref<1x16x128xf32, #tpu.memory_space<vmem>>
      %dma_wait3A_509 = tpu.memref_squeeze %dma_wait3A_508 : memref<1x16x128xf32, #tpu.memory_space<vmem>> -> memref<16x128xf32, #tpu.memory_space<vmem>>
      %dma_wait3A_510 = arith.constant 0 : i32
      %dma_wait3A_511 = tpu.memref_slice %arg3[%dma_wait3A_510, %multiple_of3A_59] : memref<16x1000000xf32, #tpu.memory_space<hbm>> -> memref<16x128xf32, #tpu.memory_space<hbm>>
      %dma_wait3A_512 = arith.constant 0 : i32
      %dma_wait3A_513 = arith.constant 0 : i32
      %dma_wait3A_514 = tpu.memref_slice %arg6[%dma_wait3A_505, %dma_wait3A_512, %dma_wait3A_513] : memref<16x16x128xf32, #tpu.memory_space<vmem>> -> memref<1x16x128xf32, #tpu.memory_space<vmem>>
      %dma_wait3A_515 = tpu.memref_squeeze %dma_wait3A_514 : memref<1x16x128xf32, #tpu.memory_space<vmem>> -> memref<16x128xf32, #tpu.memory_space<vmem>>
      %dma_wait3A_516 = arith.constant 0 : i32
      %dma_wait3A_517 = tpu.memref_slice %arg3[%dma_wait3A_516, %multiple_of3A_59] : memref<16x1000000xf32, #tpu.memory_space<hbm>> -> memref<16x128xf32, #tpu.memory_space<hbm>>
      tpu.wait_dma2 semaphore(%arg9 : memref<!tpu.dma_semaphore, #tpu.memory_space<semaphore_mem>>) src(%dma_wait3A_517 : memref<16x128xf32, #tpu.memory_space<hbm>>) dst(%dma_wait3A_515 : memref<16x128xf32, #tpu.memory_space<vmem>>)
      %dma_wait3A_518 = arith.constant 2 : i32
      %dma_wait3A_519 = arith.constant 0 : i32
      %dma_wait3A_520 = arith.constant 0 : i32
      %dma_wait3A_521 = tpu.memref_slice %arg6[%dma_wait3A_518, %dma_wait3A_519, %dma_wait3A_520] : memref<16x16x128xf32, #tpu.memory_space<vmem>> -> memref<1x16x128xf32, #tpu.memory_space<vmem>>
      %dma_wait3A_522 = tpu.memref_squeeze %dma_wait3A_521 : memref<1x16x128xf32, #tpu.memory_space<vmem>> -> memref<16x128xf32, #tpu.memory_space<vmem>>
      %dma_wait3A_523 = arith.constant 0 : i32
      %dma_wait3A_524 = tpu.memref_slice %arg3[%dma_wait3A_523, %multiple_of3A_89] : memref<16x1000000xf32, #tpu.memory_space<hbm>> -> memref<16x128xf32, #tpu.memory_space<hbm>>
      %dma_wait3A_525 = arith.constant 0 : i32
      %dma_wait3A_526 = arith.constant 0 : i32
      %dma_wait3A_527 = tpu.memref_slice %arg6[%dma_wait3A_518, %dma_wait3A_525, %dma_wait3A_526] : memref<16x16x128xf32, #tpu.memory_space<vmem>> -> memref<1x16x128xf32, #tpu.memory_space<vmem>>
      %dma_wait3A_528 = tpu.memref_squeeze %dma_wait3A_527 : memref<1x16x128xf32, #tpu.memory_space<vmem>> -> memref<16x128xf32, #tpu.memory_space<vmem>>
      %dma_wait3A_529 = arith.constant 0 : i32
      %dma_wait3A_530 = tpu.memref_slice %arg3[%dma_wait3A_529, %multiple_of3A_89] : memref<16x1000000xf32, #tpu.memory_space<hbm>> -> memref<16x128xf32, #tpu.memory_space<hbm>>
      tpu.wait_dma2 semaphore(%arg9 : memref<!tpu.dma_semaphore, #tpu.memory_space<semaphore_mem>>) src(%dma_wait3A_530 : memref<16x128xf32, #tpu.memory_space<hbm>>) dst(%dma_wait3A_528 : memref<16x128xf32, #tpu.memory_space<vmem>>)
      %dma_wait3A_531 = arith.constant 3 : i32
      %dma_wait3A_532 = arith.constant 0 : i32
      %dma_wait3A_533 = arith.constant 0 : i32
      %dma_wait3A_534 = tpu.memref_slice %arg6[%dma_wait3A_531, %dma_wait3A_532, %dma_wait3A_533] : memref<16x16x128xf32, #tpu.memory_space<vmem>> -> memref<1x16x128xf32, #tpu.memory_space<vmem>>
      %dma_wait3A_535 = tpu.memref_squeeze %dma_wait3A_534 : memref<1x16x128xf32, #tpu.memory_space<vmem>> -> memref<16x128xf32, #tpu.memory_space<vmem>>
      %dma_wait3A_536 = arith.constant 0 : i32
      %dma_wait3A_537 = tpu.memref_slice %arg3[%dma_wait3A_536, %multiple_of3A_119] : memref<16x1000000xf32, #tpu.memory_space<hbm>> -> memref<16x128xf32, #tpu.memory_space<hbm>>
      %dma_wait3A_538 = arith.constant 0 : i32
      %dma_wait3A_539 = arith.constant 0 : i32
      %dma_wait3A_540 = tpu.memref_slice %arg6[%dma_wait3A_531, %dma_wait3A_538, %dma_wait3A_539] : memref<16x16x128xf32, #tpu.memory_space<vmem>> -> memref<1x16x128xf32, #tpu.memory_space<vmem>>
      %dma_wait3A_541 = tpu.memref_squeeze %dma_wait3A_540 : memref<1x16x128xf32, #tpu.memory_space<vmem>> -> memref<16x128xf32, #tpu.memory_space<vmem>>
      %dma_wait3A_542 = arith.constant 0 : i32
      %dma_wait3A_543 = tpu.memref_slice %arg3[%dma_wait3A_542, %multiple_of3A_119] : memref<16x1000000xf32, #tpu.memory_space<hbm>> -> memref<16x128xf32, #tpu.memory_space<hbm>>
      tpu.wait_dma2 semaphore(%arg9 : memref<!tpu.dma_semaphore, #tpu.memory_space<semaphore_mem>>) src(%dma_wait3A_543 : memref<16x128xf32, #tpu.memory_space<hbm>>) dst(%dma_wait3A_541 : memref<16x128xf32, #tpu.memory_space<vmem>>)
      %dma_wait3A_544 = arith.constant 4 : i32
      %dma_wait3A_545 = arith.constant 0 : i32
      %dma_wait3A_546 = arith.constant 0 : i32
      %dma_wait3A_547 = tpu.memref_slice %arg6[%dma_wait3A_544, %dma_wait3A_545, %dma_wait3A_546] : memref<16x16x128xf32, #tpu.memory_space<vmem>> -> memref<1x16x128xf32, #tpu.memory_space<vmem>>
      %dma_wait3A_548 = tpu.memref_squeeze %dma_wait3A_547 : memref<1x16x128xf32, #tpu.memory_space<vmem>> -> memref<16x128xf32, #tpu.memory_space<vmem>>
      %dma_wait3A_549 = arith.constant 0 : i32
      %dma_wait3A_550 = tpu.memref_slice %arg3[%dma_wait3A_549, %multiple_of3A_149] : memref<16x1000000xf32, #tpu.memory_space<hbm>> -> memref<16x128xf32, #tpu.memory_space<hbm>>
      %dma_wait3A_551 = arith.constant 0 : i32
      %dma_wait3A_552 = arith.constant 0 : i32
      %dma_wait3A_553 = tpu.memref_slice %arg6[%dma_wait3A_544, %dma_wait3A_551, %dma_wait3A_552] : memref<16x16x128xf32, #tpu.memory_space<vmem>> -> memref<1x16x128xf32, #tpu.memory_space<vmem>>
      %dma_wait3A_554 = tpu.memref_squeeze %dma_wait3A_553 : memref<1x16x128xf32, #tpu.memory_space<vmem>> -> memref<16x128xf32, #tpu.memory_space<vmem>>
      %dma_wait3A_555 = arith.constant 0 : i32
      %dma_wait3A_556 = tpu.memref_slice %arg3[%dma_wait3A_555, %multiple_of3A_149] : memref<16x1000000xf32, #tpu.memory_space<hbm>> -> memref<16x128xf32, #tpu.memory_space<hbm>>
      tpu.wait_dma2 semaphore(%arg9 : memref<!tpu.dma_semaphore, #tpu.memory_space<semaphore_mem>>) src(%dma_wait3A_556 : memref<16x128xf32, #tpu.memory_space<hbm>>) dst(%dma_wait3A_554 : memref<16x128xf32, #tpu.memory_space<vmem>>)
      %dma_wait3A_557 = arith.constant 5 : i32
      %dma_wait3A_558 = arith.constant 0 : i32
      %dma_wait3A_559 = arith.constant 0 : i32
      %dma_wait3A_560 = tpu.memref_slice %arg6[%dma_wait3A_557, %dma_wait3A_558, %dma_wait3A_559] : memref<16x16x128xf32, #tpu.memory_space<vmem>> -> memref<1x16x128xf32, #tpu.memory_space<vmem>>
      %dma_wait3A_561 = tpu.memref_squeeze %dma_wait3A_560 : memref<1x16x128xf32, #tpu.memory_space<vmem>> -> memref<16x128xf32, #tpu.memory_space<vmem>>
      %dma_wait3A_562 = arith.constant 0 : i32
      %dma_wait3A_563 = tpu.memref_slice %arg3[%dma_wait3A_562, %multiple_of3A_179] : memref<16x1000000xf32, #tpu.memory_space<hbm>> -> memref<16x128xf32, #tpu.memory_space<hbm>>
      %dma_wait3A_564 = arith.constant 0 : i32
      %dma_wait3A_565 = arith.constant 0 : i32
      %dma_wait3A_566 = tpu.memref_slice %arg6[%dma_wait3A_557, %dma_wait3A_564, %dma_wait3A_565] : memref<16x16x128xf32, #tpu.memory_space<vmem>> -> memref<1x16x128xf32, #tpu.memory_space<vmem>>
      %dma_wait3A_567 = tpu.memref_squeeze %dma_wait3A_566 : memref<1x16x128xf32, #tpu.memory_space<vmem>> -> memref<16x128xf32, #tpu.memory_space<vmem>>
      %dma_wait3A_568 = arith.constant 0 : i32
      %dma_wait3A_569 = tpu.memref_slice %arg3[%dma_wait3A_568, %multiple_of3A_179] : memref<16x1000000xf32, #tpu.memory_space<hbm>> -> memref<16x128xf32, #tpu.memory_space<hbm>>
      tpu.wait_dma2 semaphore(%arg9 : memref<!tpu.dma_semaphore, #tpu.memory_space<semaphore_mem>>) src(%dma_wait3A_569 : memref<16x128xf32, #tpu.memory_space<hbm>>) dst(%dma_wait3A_567 : memref<16x128xf32, #tpu.memory_space<vmem>>)
      %dma_wait3A_570 = arith.constant 6 : i32
      %dma_wait3A_571 = arith.constant 0 : i32
      %dma_wait3A_572 = arith.constant 0 : i32
      %dma_wait3A_573 = tpu.memref_slice %arg6[%dma_wait3A_570, %dma_wait3A_571, %dma_wait3A_572] : memref<16x16x128xf32, #tpu.memory_space<vmem>> -> memref<1x16x128xf32, #tpu.memory_space<vmem>>
      %dma_wait3A_574 = tpu.memref_squeeze %dma_wait3A_573 : memref<1x16x128xf32, #tpu.memory_space<vmem>> -> memref<16x128xf32, #tpu.memory_space<vmem>>
      %dma_wait3A_575 = arith.constant 0 : i32
      %dma_wait3A_576 = tpu.memref_slice %arg3[%dma_wait3A_575, %multiple_of3A_209] : memref<16x1000000xf32, #tpu.memory_space<hbm>> -> memref<16x128xf32, #tpu.memory_space<hbm>>
      %dma_wait3A_577 = arith.constant 0 : i32
      %dma_wait3A_578 = arith.constant 0 : i32
      %dma_wait3A_579 = tpu.memref_slice %arg6[%dma_wait3A_570, %dma_wait3A_577, %dma_wait3A_578] : memref<16x16x128xf32, #tpu.memory_space<vmem>> -> memref<1x16x128xf32, #tpu.memory_space<vmem>>
      %dma_wait3A_580 = tpu.memref_squeeze %dma_wait3A_579 : memref<1x16x128xf32, #tpu.memory_space<vmem>> -> memref<16x128xf32, #tpu.memory_space<vmem>>
      %dma_wait3A_581 = arith.constant 0 : i32
      %dma_wait3A_582 = tpu.memref_slice %arg3[%dma_wait3A_581, %multiple_of3A_209] : memref<16x1000000xf32, #tpu.memory_space<hbm>> -> memref<16x128xf32, #tpu.memory_space<hbm>>
      tpu.wait_dma2 semaphore(%arg9 : memref<!tpu.dma_semaphore, #tpu.memory_space<semaphore_mem>>) src(%dma_wait3A_582 : memref<16x128xf32, #tpu.memory_space<hbm>>) dst(%dma_wait3A_580 : memref<16x128xf32, #tpu.memory_space<vmem>>)
      %dma_wait3A_583 = arith.constant 7 : i32
      %dma_wait3A_584 = arith.constant 0 : i32
      %dma_wait3A_585 = arith.constant 0 : i32
      %dma_wait3A_586 = tpu.memref_slice %arg6[%dma_wait3A_583, %dma_wait3A_584, %dma_wait3A_585] : memref<16x16x128xf32, #tpu.memory_space<vmem>> -> memref<1x16x128xf32, #tpu.memory_space<vmem>>
      %dma_wait3A_587 = tpu.memref_squeeze %dma_wait3A_586 : memref<1x16x128xf32, #tpu.memory_space<vmem>> -> memref<16x128xf32, #tpu.memory_space<vmem>>
      %dma_wait3A_588 = arith.constant 0 : i32
      %dma_wait3A_589 = tpu.memref_slice %arg3[%dma_wait3A_588, %multiple_of3A_239] : memref<16x1000000xf32, #tpu.memory_space<hbm>> -> memref<16x128xf32, #tpu.memory_space<hbm>>
      %dma_wait3A_590 = arith.constant 0 : i32
      %dma_wait3A_591 = arith.constant 0 : i32
      %dma_wait3A_592 = tpu.memref_slice %arg6[%dma_wait3A_583, %dma_wait3A_590, %dma_wait3A_591] : memref<16x16x128xf32, #tpu.memory_space<vmem>> -> memref<1x16x128xf32, #tpu.memory_space<vmem>>
      %dma_wait3A_593 = tpu.memref_squeeze %dma_wait3A_592 : memref<1x16x128xf32, #tpu.memory_space<vmem>> -> memref<16x128xf32, #tpu.memory_space<vmem>>
      %dma_wait3A_594 = arith.constant 0 : i32
      %dma_wait3A_595 = tpu.memref_slice %arg3[%dma_wait3A_594, %multiple_of3A_239] : memref<16x1000000xf32, #tpu.memory_space<hbm>> -> memref<16x128xf32, #tpu.memory_space<hbm>>
      tpu.wait_dma2 semaphore(%arg9 : memref<!tpu.dma_semaphore, #tpu.memory_space<semaphore_mem>>) src(%dma_wait3A_595 : memref<16x128xf32, #tpu.memory_space<hbm>>) dst(%dma_wait3A_593 : memref<16x128xf32, #tpu.memory_space<vmem>>)
      %dma_wait3A_596 = arith.constant 8 : i32
      %dma_wait3A_597 = arith.constant 0 : i32
      %dma_wait3A_598 = arith.constant 0 : i32
      %dma_wait3A_599 = tpu.memref_slice %arg6[%dma_wait3A_596, %dma_wait3A_597, %dma_wait3A_598] : memref<16x16x128xf32, #tpu.memory_space<vmem>> -> memref<1x16x128xf32, #tpu.memory_space<vmem>>
      %dma_wait3A_600 = tpu.memref_squeeze %dma_wait3A_599 : memref<1x16x128xf32, #tpu.memory_space<vmem>> -> memref<16x128xf32, #tpu.memory_space<vmem>>
      %dma_wait3A_601 = arith.constant 0 : i32
      %dma_wait3A_602 = tpu.memref_slice %arg3[%dma_wait3A_601, %multiple_of3A_269] : memref<16x1000000xf32, #tpu.memory_space<hbm>> -> memref<16x128xf32, #tpu.memory_space<hbm>>
      %dma_wait3A_603 = arith.constant 0 : i32
      %dma_wait3A_604 = arith.constant 0 : i32
      %dma_wait3A_605 = tpu.memref_slice %arg6[%dma_wait3A_596, %dma_wait3A_603, %dma_wait3A_604] : memref<16x16x128xf32, #tpu.memory_space<vmem>> -> memref<1x16x128xf32, #tpu.memory_space<vmem>>
      %dma_wait3A_606 = tpu.memref_squeeze %dma_wait3A_605 : memref<1x16x128xf32, #tpu.memory_space<vmem>> -> memref<16x128xf32, #tpu.memory_space<vmem>>
      %dma_wait3A_607 = arith.constant 0 : i32
      %dma_wait3A_608 = tpu.memref_slice %arg3[%dma_wait3A_607, %multiple_of3A_269] : memref<16x1000000xf32, #tpu.memory_space<hbm>> -> memref<16x128xf32, #tpu.memory_space<hbm>>
      tpu.wait_dma2 semaphore(%arg9 : memref<!tpu.dma_semaphore, #tpu.memory_space<semaphore_mem>>) src(%dma_wait3A_608 : memref<16x128xf32, #tpu.memory_space<hbm>>) dst(%dma_wait3A_606 : memref<16x128xf32, #tpu.memory_space<vmem>>)
      %dma_wait3A_609 = arith.constant 9 : i32
      %dma_wait3A_610 = arith.constant 0 : i32
      %dma_wait3A_611 = arith.constant 0 : i32
      %dma_wait3A_612 = tpu.memref_slice %arg6[%dma_wait3A_609, %dma_wait3A_610, %dma_wait3A_611] : memref<16x16x128xf32, #tpu.memory_space<vmem>> -> memref<1x16x128xf32, #tpu.memory_space<vmem>>
      %dma_wait3A_613 = tpu.memref_squeeze %dma_wait3A_612 : memref<1x16x128xf32, #tpu.memory_space<vmem>> -> memref<16x128xf32, #tpu.memory_space<vmem>>
      %dma_wait3A_614 = arith.constant 0 : i32
      %dma_wait3A_615 = tpu.memref_slice %arg3[%dma_wait3A_614, %multiple_of3A_299] : memref<16x1000000xf32, #tpu.memory_space<hbm>> -> memref<16x128xf32, #tpu.memory_space<hbm>>
      %dma_wait3A_616 = arith.constant 0 : i32
      %dma_wait3A_617 = arith.constant 0 : i32
      %dma_wait3A_618 = tpu.memref_slice %arg6[%dma_wait3A_609, %dma_wait3A_616, %dma_wait3A_617] : memref<16x16x128xf32, #tpu.memory_space<vmem>> -> memref<1x16x128xf32, #tpu.memory_space<vmem>>
      %dma_wait3A_619 = tpu.memref_squeeze %dma_wait3A_618 : memref<1x16x128xf32, #tpu.memory_space<vmem>> -> memref<16x128xf32, #tpu.memory_space<vmem>>
      %dma_wait3A_620 = arith.constant 0 : i32
      %dma_wait3A_621 = tpu.memref_slice %arg3[%dma_wait3A_620, %multiple_of3A_299] : memref<16x1000000xf32, #tpu.memory_space<hbm>> -> memref<16x128xf32, #tpu.memory_space<hbm>>
      tpu.wait_dma2 semaphore(%arg9 : memref<!tpu.dma_semaphore, #tpu.memory_space<semaphore_mem>>) src(%dma_wait3A_621 : memref<16x128xf32, #tpu.memory_space<hbm>>) dst(%dma_wait3A_619 : memref<16x128xf32, #tpu.memory_space<vmem>>)
      %dma_wait3A_622 = arith.constant 10 : i32
      %dma_wait3A_623 = arith.constant 0 : i32
      %dma_wait3A_624 = arith.constant 0 : i32
      %dma_wait3A_625 = tpu.memref_slice %arg6[%dma_wait3A_622, %dma_wait3A_623, %dma_wait3A_624] : memref<16x16x128xf32, #tpu.memory_space<vmem>> -> memref<1x16x128xf32, #tpu.memory_space<vmem>>
      %dma_wait3A_626 = tpu.memref_squeeze %dma_wait3A_625 : memref<1x16x128xf32, #tpu.memory_space<vmem>> -> memref<16x128xf32, #tpu.memory_space<vmem>>
      %dma_wait3A_627 = arith.constant 0 : i32
      %dma_wait3A_628 = tpu.memref_slice %arg3[%dma_wait3A_627, %multiple_of3A_329] : memref<16x1000000xf32, #tpu.memory_space<hbm>> -> memref<16x128xf32, #tpu.memory_space<hbm>>
      %dma_wait3A_629 = arith.constant 0 : i32
      %dma_wait3A_630 = arith.constant 0 : i32
      %dma_wait3A_631 = tpu.memref_slice %arg6[%dma_wait3A_622, %dma_wait3A_629, %dma_wait3A_630] : memref<16x16x128xf32, #tpu.memory_space<vmem>> -> memref<1x16x128xf32, #tpu.memory_space<vmem>>
      %dma_wait3A_632 = tpu.memref_squeeze %dma_wait3A_631 : memref<1x16x128xf32, #tpu.memory_space<vmem>> -> memref<16x128xf32, #tpu.memory_space<vmem>>
      %dma_wait3A_633 = arith.constant 0 : i32
      %dma_wait3A_634 = tpu.memref_slice %arg3[%dma_wait3A_633, %multiple_of3A_329] : memref<16x1000000xf32, #tpu.memory_space<hbm>> -> memref<16x128xf32, #tpu.memory_space<hbm>>
      tpu.wait_dma2 semaphore(%arg9 : memref<!tpu.dma_semaphore, #tpu.memory_space<semaphore_mem>>) src(%dma_wait3A_634 : memref<16x128xf32, #tpu.memory_space<hbm>>) dst(%dma_wait3A_632 : memref<16x128xf32, #tpu.memory_space<vmem>>)
      %dma_wait3A_635 = arith.constant 11 : i32
      %dma_wait3A_636 = arith.constant 0 : i32
      %dma_wait3A_637 = arith.constant 0 : i32
      %dma_wait3A_638 = tpu.memref_slice %arg6[%dma_wait3A_635, %dma_wait3A_636, %dma_wait3A_637] : memref<16x16x128xf32, #tpu.memory_space<vmem>> -> memref<1x16x128xf32, #tpu.memory_space<vmem>>
      %dma_wait3A_639 = tpu.memref_squeeze %dma_wait3A_638 : memref<1x16x128xf32, #tpu.memory_space<vmem>> -> memref<16x128xf32, #tpu.memory_space<vmem>>
      %dma_wait3A_640 = arith.constant 0 : i32
      %dma_wait3A_641 = tpu.memref_slice %arg3[%dma_wait3A_640, %multiple_of3A_359] : memref<16x1000000xf32, #tpu.memory_space<hbm>> -> memref<16x128xf32, #tpu.memory_space<hbm>>
      %dma_wait3A_642 = arith.constant 0 : i32
      %dma_wait3A_643 = arith.constant 0 : i32
      %dma_wait3A_644 = tpu.memref_slice %arg6[%dma_wait3A_635, %dma_wait3A_642, %dma_wait3A_643] : memref<16x16x128xf32, #tpu.memory_space<vmem>> -> memref<1x16x128xf32, #tpu.memory_space<vmem>>
      %dma_wait3A_645 = tpu.memref_squeeze %dma_wait3A_644 : memref<1x16x128xf32, #tpu.memory_space<vmem>> -> memref<16x128xf32, #tpu.memory_space<vmem>>
      %dma_wait3A_646 = arith.constant 0 : i32
      %dma_wait3A_647 = tpu.memref_slice %arg3[%dma_wait3A_646, %multiple_of3A_359] : memref<16x1000000xf32, #tpu.memory_space<hbm>> -> memref<16x128xf32, #tpu.memory_space<hbm>>
      tpu.wait_dma2 semaphore(%arg9 : memref<!tpu.dma_semaphore, #tpu.memory_space<semaphore_mem>>) src(%dma_wait3A_647 : memref<16x128xf32, #tpu.memory_space<hbm>>) dst(%dma_wait3A_645 : memref<16x128xf32, #tpu.memory_space<vmem>>)
      %dma_wait3A_648 = arith.constant 12 : i32
      %dma_wait3A_649 = arith.constant 0 : i32
      %dma_wait3A_650 = arith.constant 0 : i32
      %dma_wait3A_651 = tpu.memref_slice %arg6[%dma_wait3A_648, %dma_wait3A_649, %dma_wait3A_650] : memref<16x16x128xf32, #tpu.memory_space<vmem>> -> memref<1x16x128xf32, #tpu.memory_space<vmem>>
      %dma_wait3A_652 = tpu.memref_squeeze %dma_wait3A_651 : memref<1x16x128xf32, #tpu.memory_space<vmem>> -> memref<16x128xf32, #tpu.memory_space<vmem>>
      %dma_wait3A_653 = arith.constant 0 : i32
      %dma_wait3A_654 = tpu.memref_slice %arg3[%dma_wait3A_653, %multiple_of3A_389] : memref<16x1000000xf32, #tpu.memory_space<hbm>> -> memref<16x128xf32, #tpu.memory_space<hbm>>
      %dma_wait3A_655 = arith.constant 0 : i32
      %dma_wait3A_656 = arith.constant 0 : i32
      %dma_wait3A_657 = tpu.memref_slice %arg6[%dma_wait3A_648, %dma_wait3A_655, %dma_wait3A_656] : memref<16x16x128xf32, #tpu.memory_space<vmem>> -> memref<1x16x128xf32, #tpu.memory_space<vmem>>
      %dma_wait3A_658 = tpu.memref_squeeze %dma_wait3A_657 : memref<1x16x128xf32, #tpu.memory_space<vmem>> -> memref<16x128xf32, #tpu.memory_space<vmem>>
      %dma_wait3A_659 = arith.constant 0 : i32
      %dma_wait3A_660 = tpu.memref_slice %arg3[%dma_wait3A_659, %multiple_of3A_389] : memref<16x1000000xf32, #tpu.memory_space<hbm>> -> memref<16x128xf32, #tpu.memory_space<hbm>>
      tpu.wait_dma2 semaphore(%arg9 : memref<!tpu.dma_semaphore, #tpu.memory_space<semaphore_mem>>) src(%dma_wait3A_660 : memref<16x128xf32, #tpu.memory_space<hbm>>) dst(%dma_wait3A_658 : memref<16x128xf32, #tpu.memory_space<vmem>>)
      %dma_wait3A_661 = arith.constant 13 : i32
      %dma_wait3A_662 = arith.constant 0 : i32
      %dma_wait3A_663 = arith.constant 0 : i32
      %dma_wait3A_664 = tpu.memref_slice %arg6[%dma_wait3A_661, %dma_wait3A_662, %dma_wait3A_663] : memref<16x16x128xf32, #tpu.memory_space<vmem>> -> memref<1x16x128xf32, #tpu.memory_space<vmem>>
      %dma_wait3A_665 = tpu.memref_squeeze %dma_wait3A_664 : memref<1x16x128xf32, #tpu.memory_space<vmem>> -> memref<16x128xf32, #tpu.memory_space<vmem>>
      %dma_wait3A_666 = arith.constant 0 : i32
      %dma_wait3A_667 = tpu.memref_slice %arg3[%dma_wait3A_666, %multiple_of3A_419] : memref<16x1000000xf32, #tpu.memory_space<hbm>> -> memref<16x128xf32, #tpu.memory_space<hbm>>
      %dma_wait3A_668 = arith.constant 0 : i32
      %dma_wait3A_669 = arith.constant 0 : i32
      %dma_wait3A_670 = tpu.memref_slice %arg6[%dma_wait3A_661, %dma_wait3A_668, %dma_wait3A_669] : memref<16x16x128xf32, #tpu.memory_space<vmem>> -> memref<1x16x128xf32, #tpu.memory_space<vmem>>
      %dma_wait3A_671 = tpu.memref_squeeze %dma_wait3A_670 : memref<1x16x128xf32, #tpu.memory_space<vmem>> -> memref<16x128xf32, #tpu.memory_space<vmem>>
      %dma_wait3A_672 = arith.constant 0 : i32
      %dma_wait3A_673 = tpu.memref_slice %arg3[%dma_wait3A_672, %multiple_of3A_419] : memref<16x1000000xf32, #tpu.memory_space<hbm>> -> memref<16x128xf32, #tpu.memory_space<hbm>>
      tpu.wait_dma2 semaphore(%arg9 : memref<!tpu.dma_semaphore, #tpu.memory_space<semaphore_mem>>) src(%dma_wait3A_673 : memref<16x128xf32, #tpu.memory_space<hbm>>) dst(%dma_wait3A_671 : memref<16x128xf32, #tpu.memory_space<vmem>>)
      %dma_wait3A_674 = arith.constant 14 : i32
      %dma_wait3A_675 = arith.constant 0 : i32
      %dma_wait3A_676 = arith.constant 0 : i32
      %dma_wait3A_677 = tpu.memref_slice %arg6[%dma_wait3A_674, %dma_wait3A_675, %dma_wait3A_676] : memref<16x16x128xf32, #tpu.memory_space<vmem>> -> memref<1x16x128xf32, #tpu.memory_space<vmem>>
      %dma_wait3A_678 = tpu.memref_squeeze %dma_wait3A_677 : memref<1x16x128xf32, #tpu.memory_space<vmem>> -> memref<16x128xf32, #tpu.memory_space<vmem>>
      %dma_wait3A_679 = arith.constant 0 : i32
      %dma_wait3A_680 = tpu.memref_slice %arg3[%dma_wait3A_679, %multiple_of3A_449] : memref<16x1000000xf32, #tpu.memory_space<hbm>> -> memref<16x128xf32, #tpu.memory_space<hbm>>
      %dma_wait3A_681 = arith.constant 0 : i32
      %dma_wait3A_682 = arith.constant 0 : i32
      %dma_wait3A_683 = tpu.memref_slice %arg6[%dma_wait3A_674, %dma_wait3A_681, %dma_wait3A_682] : memref<16x16x128xf32, #tpu.memory_space<vmem>> -> memref<1x16x128xf32, #tpu.memory_space<vmem>>
      %dma_wait3A_684 = tpu.memref_squeeze %dma_wait3A_683 : memref<1x16x128xf32, #tpu.memory_space<vmem>> -> memref<16x128xf32, #tpu.memory_space<vmem>>
      %dma_wait3A_685 = arith.constant 0 : i32
      %dma_wait3A_686 = tpu.memref_slice %arg3[%dma_wait3A_685, %multiple_of3A_449] : memref<16x1000000xf32, #tpu.memory_space<hbm>> -> memref<16x128xf32, #tpu.memory_space<hbm>>
      tpu.wait_dma2 semaphore(%arg9 : memref<!tpu.dma_semaphore, #tpu.memory_space<semaphore_mem>>) src(%dma_wait3A_686 : memref<16x128xf32, #tpu.memory_space<hbm>>) dst(%dma_wait3A_684 : memref<16x128xf32, #tpu.memory_space<vmem>>)
      %dma_wait3A_687 = arith.constant 15 : i32
      %dma_wait3A_688 = arith.constant 0 : i32
      %dma_wait3A_689 = arith.constant 0 : i32
      %dma_wait3A_690 = tpu.memref_slice %arg6[%dma_wait3A_687, %dma_wait3A_688, %dma_wait3A_689] : memref<16x16x128xf32, #tpu.memory_space<vmem>> -> memref<1x16x128xf32, #tpu.memory_space<vmem>>
      %dma_wait3A_691 = tpu.memref_squeeze %dma_wait3A_690 : memref<1x16x128xf32, #tpu.memory_space<vmem>> -> memref<16x128xf32, #tpu.memory_space<vmem>>
      %dma_wait3A_692 = arith.constant 0 : i32
      %dma_wait3A_693 = tpu.memref_slice %arg3[%dma_wait3A_692, %multiple_of3A_479] : memref<16x1000000xf32, #tpu.memory_space<hbm>> -> memref<16x128xf32, #tpu.memory_space<hbm>>
      %dma_wait3A_694 = arith.constant 0 : i32
      %dma_wait3A_695 = arith.constant 0 : i32
      %dma_wait3A_696 = tpu.memref_slice %arg6[%dma_wait3A_687, %dma_wait3A_694, %dma_wait3A_695] : memref<16x16x128xf32, #tpu.memory_space<vmem>> -> memref<1x16x128xf32, #tpu.memory_space<vmem>>
      %dma_wait3A_697 = tpu.memref_squeeze %dma_wait3A_696 : memref<1x16x128xf32, #tpu.memory_space<vmem>> -> memref<16x128xf32, #tpu.memory_space<vmem>>
      %dma_wait3A_698 = arith.constant 0 : i32
      %dma_wait3A_699 = tpu.memref_slice %arg3[%dma_wait3A_698, %multiple_of3A_479] : memref<16x1000000xf32, #tpu.memory_space<hbm>> -> memref<16x128xf32, #tpu.memory_space<hbm>>
      tpu.wait_dma2 semaphore(%arg9 : memref<!tpu.dma_semaphore, #tpu.memory_space<semaphore_mem>>) src(%dma_wait3A_699 : memref<16x128xf32, #tpu.memory_space<hbm>>) dst(%dma_wait3A_697 : memref<16x128xf32, #tpu.memory_space<vmem>>)
      %mul3A_700 = arith.constant 16 : i32
      %mul3A_701 = arith.muli %scan3A_9, %mul3A_700 : i32
      %get3A_702 = arith.index_cast %mul3A_701 : i32 to index
      %get3A_703 = tpu.vector_load %arg5[%get3A_702] {strides = array<i32>} : memref<512xi32, #tpu.memory_space<vmem>>, vector<16xi32>,
      %shift_right_arithmetic3A_704 = arith.constant 7 : i32
      %shift_right_arithmetic3A_705 = vector.broadcast %shift_right_arithmetic3A_704 : i32 to vector<16xi32>
      %shift_right_arithmetic3A_706 = arith.shrsi %get3A_703, %shift_right_arithmetic3A_705 : vector<16xi32>
      %and3A = arith.constant 127 : i32
      %and3A_707 = vector.broadcast %and3A : i32 to vector<16xi32>
      %and3A_708 = arith.andi %get3A_703, %and3A_707 : vector<16xi32>
      %gt3A = arith.constant 7811 : i32
      %gt3A_709 = vector.broadcast %gt3A : i32 to vector<16xi32>
      %gt3A_710 = arith.cmpi sgt, %shift_right_arithmetic3A_706, %gt3A_709 : vector<16xi32>
      %sub3A = arith.constant 999936 : i32
      %sub3A_711 = vector.broadcast %sub3A : i32 to vector<16xi32>
      %sub3A_712 = arith.subi %get3A_703, %sub3A_711 : vector<16xi32>
      %jit3A_713 = arith.constant 0 : i32
      %jit3A_714 = arith.constant 63 : i32
      %max3A_715 = vector.broadcast %jit3A_713 : i32 to vector<16xi32>
      %max3A_716 = arith.maxsi %max3A_715, %sub3A_712 : vector<16xi32>
      %min3A_717 = vector.broadcast %jit3A_714 : i32 to vector<16xi32>
      %min3A_718 = arith.minsi %min3A_717, %max3A_716 : vector<16xi32>
      %iota3A_719 = tpu.iota {dimensions = array<i32: 0>} : vector<16xi32>
      %broadcast_in_dim3A_720 = arith.constant 0 : i32
      %broadcast_in_dim3A_721 = vector.broadcast %broadcast_in_dim3A_720 : i32 to vector<16xi32>
      %gather3A = tpu.vector_load_idx %arg6[%iota3A_719, %broadcast_in_dim3A_721, %and3A_708] : memref<16x16x128xf32, #tpu.memory_space<vmem>>[vector<16xi32>, vector<16xi32>, vector<16xi32>], vector<16xf32>,
      %gather3A_722 = tpu.vector_load_idx %arg7[%broadcast_in_dim3A_721, %min3A_718] : memref<16x64xf32, #tpu.memory_space<vmem>>[vector<16xi32>, vector<16xi32>], vector<16xf32>,
      %select_n3A_723 = arith.select %gt3A_710, %gather3A_722, %gather3A : vector<16xi1>, vector<16xf32>
      %mul3A_724 = arith.constant 16 : i32
      %mul3A_725 = arith.muli %scan3A_9, %mul3A_724 : i32
      %swap3A = arith.constant 0 : i32
      %swap3A_726 = arith.index_cast %swap3A : i32 to index
      %swap3A_727 = arith.index_cast %mul3A_725 : i32 to index
      %swap3A_728 = tpu.vector_load %arg8[%swap3A_726, %swap3A_727] {strides = array<i32>} : memref<16x512xf32, #tpu.memory_space<vmem>>, vector<16xf32>,
      tpu.vector_store %arg8[%swap3A_726, %swap3A_727], %select_n3A_723 {strides = array<i32>} : memref<16x512xf32, #tpu.memory_space<vmem>>, vector<16xf32>,
      %broadcast_in_dim3A_729 = arith.constant 1 : i32
      %broadcast_in_dim3A_730 = vector.broadcast %broadcast_in_dim3A_729 : i32 to vector<16xi32>
      %gather3A_731 = tpu.vector_load_idx %arg6[%iota3A_719, %broadcast_in_dim3A_730, %and3A_708] : memref<16x16x128xf32, #tpu.memory_space<vmem>>[vector<16xi32>, vector<16xi32>, vector<16xi32>], vector<16xf32>,
      %gather3A_732 = tpu.vector_load_idx %arg7[%broadcast_in_dim3A_730, %min3A_718] : memref<16x64xf32, #tpu.memory_space<vmem>>[vector<16xi32>, vector<16xi32>], vector<16xf32>,
      %select_n3A_733 = arith.select %gt3A_710, %gather3A_732, %gather3A_731 : vector<16xi1>, vector<16xf32>
      %mul3A_734 = arith.constant 16 : i32
      %mul3A_735 = arith.muli %scan3A_9, %mul3A_734 : i32
      %swap3A_736 = arith.constant 1 : i32
      %swap3A_737 = arith.index_cast %swap3A_736 : i32 to index
      %swap3A_738 = arith.index_cast %mul3A_735 : i32 to index
      %swap3A_739 = tpu.vector_load %arg8[%swap3A_737, %swap3A_738] {strides = array<i32>} : memref<16x512xf32, #tpu.memory_space<vmem>>, vector<16xf32>,
      tpu.vector_store %arg8[%swap3A_737, %swap3A_738], %select_n3A_733 {strides = array<i32>} : memref<16x512xf32, #tpu.memory_space<vmem>>, vector<16xf32>,
      %broadcast_in_dim3A_740 = arith.constant 2 : i32
      %broadcast_in_dim3A_741 = vector.broadcast %broadcast_in_dim3A_740 : i32 to vector<16xi32>
      %gather3A_742 = tpu.vector_load_idx %arg6[%iota3A_719, %broadcast_in_dim3A_741, %and3A_708] : memref<16x16x128xf32, #tpu.memory_space<vmem>>[vector<16xi32>, vector<16xi32>, vector<16xi32>], vector<16xf32>,
      %gather3A_743 = tpu.vector_load_idx %arg7[%broadcast_in_dim3A_741, %min3A_718] : memref<16x64xf32, #tpu.memory_space<vmem>>[vector<16xi32>, vector<16xi32>], vector<16xf32>,
      %select_n3A_744 = arith.select %gt3A_710, %gather3A_743, %gather3A_742 : vector<16xi1>, vector<16xf32>
      %mul3A_745 = arith.constant 16 : i32
      %mul3A_746 = arith.muli %scan3A_9, %mul3A_745 : i32
      %swap3A_747 = arith.constant 2 : i32
      %swap3A_748 = arith.index_cast %swap3A_747 : i32 to index
      %swap3A_749 = arith.index_cast %mul3A_746 : i32 to index
      %swap3A_750 = tpu.vector_load %arg8[%swap3A_748, %swap3A_749] {strides = array<i32>} : memref<16x512xf32, #tpu.memory_space<vmem>>, vector<16xf32>,
      tpu.vector_store %arg8[%swap3A_748, %swap3A_749], %select_n3A_744 {strides = array<i32>} : memref<16x512xf32, #tpu.memory_space<vmem>>, vector<16xf32>,
      %broadcast_in_dim3A_751 = arith.constant 3 : i32
      %broadcast_in_dim3A_752 = vector.broadcast %broadcast_in_dim3A_751 : i32 to vector<16xi32>
      %gather3A_753 = tpu.vector_load_idx %arg6[%iota3A_719, %broadcast_in_dim3A_752, %and3A_708] : memref<16x16x128xf32, #tpu.memory_space<vmem>>[vector<16xi32>, vector<16xi32>, vector<16xi32>], vector<16xf32>,
      %gather3A_754 = tpu.vector_load_idx %arg7[%broadcast_in_dim3A_752, %min3A_718] : memref<16x64xf32, #tpu.memory_space<vmem>>[vector<16xi32>, vector<16xi32>], vector<16xf32>,
      %select_n3A_755 = arith.select %gt3A_710, %gather3A_754, %gather3A_753 : vector<16xi1>, vector<16xf32>
      %mul3A_756 = arith.constant 16 : i32
      %mul3A_757 = arith.muli %scan3A_9, %mul3A_756 : i32
      %swap3A_758 = arith.constant 3 : i32
      %swap3A_759 = arith.index_cast %swap3A_758 : i32 to index
      %swap3A_760 = arith.index_cast %mul3A_757 : i32 to index
      %swap3A_761 = tpu.vector_load %arg8[%swap3A_759, %swap3A_760] {strides = array<i32>} : memref<16x512xf32, #tpu.memory_space<vmem>>, vector<16xf32>,
      tpu.vector_store %arg8[%swap3A_759, %swap3A_760], %select_n3A_755 {strides = array<i32>} : memref<16x512xf32, #tpu.memory_space<vmem>>, vector<16xf32>,
      %broadcast_in_dim3A_762 = arith.constant 4 : i32
      %broadcast_in_dim3A_763 = vector.broadcast %broadcast_in_dim3A_762 : i32 to vector<16xi32>
      %gather3A_764 = tpu.vector_load_idx %arg6[%iota3A_719, %broadcast_in_dim3A_763, %and3A_708] : memref<16x16x128xf32, #tpu.memory_space<vmem>>[vector<16xi32>, vector<16xi32>, vector<16xi32>], vector<16xf32>,
      %gather3A_765 = tpu.vector_load_idx %arg7[%broadcast_in_dim3A_763, %min3A_718] : memref<16x64xf32, #tpu.memory_space<vmem>>[vector<16xi32>, vector<16xi32>], vector<16xf32>,
      %select_n3A_766 = arith.select %gt3A_710, %gather3A_765, %gather3A_764 : vector<16xi1>, vector<16xf32>
      %mul3A_767 = arith.constant 16 : i32
      %mul3A_768 = arith.muli %scan3A_9, %mul3A_767 : i32
      %swap3A_769 = arith.constant 4 : i32
      %swap3A_770 = arith.index_cast %swap3A_769 : i32 to index
      %swap3A_771 = arith.index_cast %mul3A_768 : i32 to index
      %swap3A_772 = tpu.vector_load %arg8[%swap3A_770, %swap3A_771] {strides = array<i32>} : memref<16x512xf32, #tpu.memory_space<vmem>>, vector<16xf32>,
      tpu.vector_store %arg8[%swap3A_770, %swap3A_771], %select_n3A_766 {strides = array<i32>} : memref<16x512xf32, #tpu.memory_space<vmem>>, vector<16xf32>,
      %broadcast_in_dim3A_773 = arith.constant 5 : i32
      %broadcast_in_dim3A_774 = vector.broadcast %broadcast_in_dim3A_773 : i32 to vector<16xi32>
      %gather3A_775 = tpu.vector_load_idx %arg6[%iota3A_719, %broadcast_in_dim3A_774, %and3A_708] : memref<16x16x128xf32, #tpu.memory_space<vmem>>[vector<16xi32>, vector<16xi32>, vector<16xi32>], vector<16xf32>,
      %gather3A_776 = tpu.vector_load_idx %arg7[%broadcast_in_dim3A_774, %min3A_718] : memref<16x64xf32, #tpu.memory_space<vmem>>[vector<16xi32>, vector<16xi32>], vector<16xf32>,
      %select_n3A_777 = arith.select %gt3A_710, %gather3A_776, %gather3A_775 : vector<16xi1>, vector<16xf32>
      %mul3A_778 = arith.constant 16 : i32
      %mul3A_779 = arith.muli %scan3A_9, %mul3A_778 : i32
      %swap3A_780 = arith.constant 5 : i32
      %swap3A_781 = arith.index_cast %swap3A_780 : i32 to index
      %swap3A_782 = arith.index_cast %mul3A_779 : i32 to index
      %swap3A_783 = tpu.vector_load %arg8[%swap3A_781, %swap3A_782] {strides = array<i32>} : memref<16x512xf32, #tpu.memory_space<vmem>>, vector<16xf32>,
      tpu.vector_store %arg8[%swap3A_781, %swap3A_782], %select_n3A_777 {strides = array<i32>} : memref<16x512xf32, #tpu.memory_space<vmem>>, vector<16xf32>,
      %broadcast_in_dim3A_784 = arith.constant 6 : i32
      %broadcast_in_dim3A_785 = vector.broadcast %broadcast_in_dim3A_784 : i32 to vector<16xi32>
      %gather3A_786 = tpu.vector_load_idx %arg6[%iota3A_719, %broadcast_in_dim3A_785, %and3A_708] : memref<16x16x128xf32, #tpu.memory_space<vmem>>[vector<16xi32>, vector<16xi32>, vector<16xi32>], vector<16xf32>,
      %gather3A_787 = tpu.vector_load_idx %arg7[%broadcast_in_dim3A_785, %min3A_718] : memref<16x64xf32, #tpu.memory_space<vmem>>[vector<16xi32>, vector<16xi32>], vector<16xf32>,
      %select_n3A_788 = arith.select %gt3A_710, %gather3A_787, %gather3A_786 : vector<16xi1>, vector<16xf32>
      %mul3A_789 = arith.constant 16 : i32
      %mul3A_790 = arith.muli %scan3A_9, %mul3A_789 : i32
      %swap3A_791 = arith.constant 6 : i32
      %swap3A_792 = arith.index_cast %swap3A_791 : i32 to index
      %swap3A_793 = arith.index_cast %mul3A_790 : i32 to index
      %swap3A_794 = tpu.vector_load %arg8[%swap3A_792, %swap3A_793] {strides = array<i32>} : memref<16x512xf32, #tpu.memory_space<vmem>>, vector<16xf32>,
      tpu.vector_store %arg8[%swap3A_792, %swap3A_793], %select_n3A_788 {strides = array<i32>} : memref<16x512xf32, #tpu.memory_space<vmem>>, vector<16xf32>,
      %broadcast_in_dim3A_795 = arith.constant 7 : i32
      %broadcast_in_dim3A_796 = vector.broadcast %broadcast_in_dim3A_795 : i32 to vector<16xi32>
      %gather3A_797 = tpu.vector_load_idx %arg6[%iota3A_719, %broadcast_in_dim3A_796, %and3A_708] : memref<16x16x128xf32, #tpu.memory_space<vmem>>[vector<16xi32>, vector<16xi32>, vector<16xi32>], vector<16xf32>,
      %gather3A_798 = tpu.vector_load_idx %arg7[%broadcast_in_dim3A_796, %min3A_718] : memref<16x64xf32, #tpu.memory_space<vmem>>[vector<16xi32>, vector<16xi32>], vector<16xf32>,
      %select_n3A_799 = arith.select %gt3A_710, %gather3A_798, %gather3A_797 : vector<16xi1>, vector<16xf32>
      %mul3A_800 = arith.constant 16 : i32
      %mul3A_801 = arith.muli %scan3A_9, %mul3A_800 : i32
      %swap3A_802 = arith.constant 7 : i32
      %swap3A_803 = arith.index_cast %swap3A_802 : i32 to index
      %swap3A_804 = arith.index_cast %mul3A_801 : i32 to index
      %swap3A_805 = tpu.vector_load %arg8[%swap3A_803, %swap3A_804] {strides = array<i32>} : memref<16x512xf32, #tpu.memory_space<vmem>>, vector<16xf32>,
      tpu.vector_store %arg8[%swap3A_803, %swap3A_804], %select_n3A_799 {strides = array<i32>} : memref<16x512xf32, #tpu.memory_space<vmem>>, vector<16xf32>,
      %broadcast_in_dim3A_806 = arith.constant 8 : i32
      %broadcast_in_dim3A_807 = vector.broadcast %broadcast_in_dim3A_806 : i32 to vector<16xi32>
      %gather3A_808 = tpu.vector_load_idx %arg6[%iota3A_719, %broadcast_in_dim3A_807, %and3A_708] : memref<16x16x128xf32, #tpu.memory_space<vmem>>[vector<16xi32>, vector<16xi32>, vector<16xi32>], vector<16xf32>,
      %gather3A_809 = tpu.vector_load_idx %arg7[%broadcast_in_dim3A_807, %min3A_718] : memref<16x64xf32, #tpu.memory_space<vmem>>[vector<16xi32>, vector<16xi32>], vector<16xf32>,
      %select_n3A_810 = arith.select %gt3A_710, %gather3A_809, %gather3A_808 : vector<16xi1>, vector<16xf32>
      %mul3A_811 = arith.constant 16 : i32
      %mul3A_812 = arith.muli %scan3A_9, %mul3A_811 : i32
      %swap3A_813 = arith.constant 8 : i32
      %swap3A_814 = arith.index_cast %swap3A_813 : i32 to index
      %swap3A_815 = arith.index_cast %mul3A_812 : i32 to index
      %swap3A_816 = tpu.vector_load %arg8[%swap3A_814, %swap3A_815] {strides = array<i32>} : memref<16x512xf32, #tpu.memory_space<vmem>>, vector<16xf32>,
      tpu.vector_store %arg8[%swap3A_814, %swap3A_815], %select_n3A_810 {strides = array<i32>} : memref<16x512xf32, #tpu.memory_space<vmem>>, vector<16xf32>,
      %broadcast_in_dim3A_817 = arith.constant 9 : i32
      %broadcast_in_dim3A_818 = vector.broadcast %broadcast_in_dim3A_817 : i32 to vector<16xi32>
      %gather3A_819 = tpu.vector_load_idx %arg6[%iota3A_719, %broadcast_in_dim3A_818, %and3A_708] : memref<16x16x128xf32, #tpu.memory_space<vmem>>[vector<16xi32>, vector<16xi32>, vector<16xi32>], vector<16xf32>,
      %gather3A_820 = tpu.vector_load_idx %arg7[%broadcast_in_dim3A_818, %min3A_718] : memref<16x64xf32, #tpu.memory_space<vmem>>[vector<16xi32>, vector<16xi32>], vector<16xf32>,
      %select_n3A_821 = arith.select %gt3A_710, %gather3A_820, %gather3A_819 : vector<16xi1>, vector<16xf32>
      %mul3A_822 = arith.constant 16 : i32
      %mul3A_823 = arith.muli %scan3A_9, %mul3A_822 : i32
      %swap3A_824 = arith.constant 9 : i32
      %swap3A_825 = arith.index_cast %swap3A_824 : i32 to index
      %swap3A_826 = arith.index_cast %mul3A_823 : i32 to index
      %swap3A_827 = tpu.vector_load %arg8[%swap3A_825, %swap3A_826] {strides = array<i32>} : memref<16x512xf32, #tpu.memory_space<vmem>>, vector<16xf32>,
      tpu.vector_store %arg8[%swap3A_825, %swap3A_826], %select_n3A_821 {strides = array<i32>} : memref<16x512xf32, #tpu.memory_space<vmem>>, vector<16xf32>,
      %broadcast_in_dim3A_828 = arith.constant 10 : i32
      %broadcast_in_dim3A_829 = vector.broadcast %broadcast_in_dim3A_828 : i32 to vector<16xi32>
      %gather3A_830 = tpu.vector_load_idx %arg6[%iota3A_719, %broadcast_in_dim3A_829, %and3A_708] : memref<16x16x128xf32, #tpu.memory_space<vmem>>[vector<16xi32>, vector<16xi32>, vector<16xi32>], vector<16xf32>,
      %gather3A_831 = tpu.vector_load_idx %arg7[%broadcast_in_dim3A_829, %min3A_718] : memref<16x64xf32, #tpu.memory_space<vmem>>[vector<16xi32>, vector<16xi32>], vector<16xf32>,
      %select_n3A_832 = arith.select %gt3A_710, %gather3A_831, %gather3A_830 : vector<16xi1>, vector<16xf32>
      %mul3A_833 = arith.constant 16 : i32
      %mul3A_834 = arith.muli %scan3A_9, %mul3A_833 : i32
      %swap3A_835 = arith.constant 10 : i32
      %swap3A_836 = arith.index_cast %swap3A_835 : i32 to index
      %swap3A_837 = arith.index_cast %mul3A_834 : i32 to index
      %swap3A_838 = tpu.vector_load %arg8[%swap3A_836, %swap3A_837] {strides = array<i32>} : memref<16x512xf32, #tpu.memory_space<vmem>>, vector<16xf32>,
      tpu.vector_store %arg8[%swap3A_836, %swap3A_837], %select_n3A_832 {strides = array<i32>} : memref<16x512xf32, #tpu.memory_space<vmem>>, vector<16xf32>,
      %broadcast_in_dim3A_839 = arith.constant 11 : i32
      %broadcast_in_dim3A_840 = vector.broadcast %broadcast_in_dim3A_839 : i32 to vector<16xi32>
      %gather3A_841 = tpu.vector_load_idx %arg6[%iota3A_719, %broadcast_in_dim3A_840, %and3A_708] : memref<16x16x128xf32, #tpu.memory_space<vmem>>[vector<16xi32>, vector<16xi32>, vector<16xi32>], vector<16xf32>,
      %gather3A_842 = tpu.vector_load_idx %arg7[%broadcast_in_dim3A_840, %min3A_718] : memref<16x64xf32, #tpu.memory_space<vmem>>[vector<16xi32>, vector<16xi32>], vector<16xf32>,
      %select_n3A_843 = arith.select %gt3A_710, %gather3A_842, %gather3A_841 : vector<16xi1>, vector<16xf32>
      %mul3A_844 = arith.constant 16 : i32
      %mul3A_845 = arith.muli %scan3A_9, %mul3A_844 : i32
      %swap3A_846 = arith.constant 11 : i32
      %swap3A_847 = arith.index_cast %swap3A_846 : i32 to index
      %swap3A_848 = arith.index_cast %mul3A_845 : i32 to index
      %swap3A_849 = tpu.vector_load %arg8[%swap3A_847, %swap3A_848] {strides = array<i32>} : memref<16x512xf32, #tpu.memory_space<vmem>>, vector<16xf32>,
      tpu.vector_store %arg8[%swap3A_847, %swap3A_848], %select_n3A_843 {strides = array<i32>} : memref<16x512xf32, #tpu.memory_space<vmem>>, vector<16xf32>,
      %broadcast_in_dim3A_850 = arith.constant 12 : i32
      %broadcast_in_dim3A_851 = vector.broadcast %broadcast_in_dim3A_850 : i32 to vector<16xi32>
      %gather3A_852 = tpu.vector_load_idx %arg6[%iota3A_719, %broadcast_in_dim3A_851, %and3A_708] : memref<16x16x128xf32, #tpu.memory_space<vmem>>[vector<16xi32>, vector<16xi32>, vector<16xi32>], vector<16xf32>,
      %gather3A_853 = tpu.vector_load_idx %arg7[%broadcast_in_dim3A_851, %min3A_718] : memref<16x64xf32, #tpu.memory_space<vmem>>[vector<16xi32>, vector<16xi32>], vector<16xf32>,
      %select_n3A_854 = arith.select %gt3A_710, %gather3A_853, %gather3A_852 : vector<16xi1>, vector<16xf32>
      %mul3A_855 = arith.constant 16 : i32
      %mul3A_856 = arith.muli %scan3A_9, %mul3A_855 : i32
      %swap3A_857 = arith.constant 12 : i32
      %swap3A_858 = arith.index_cast %swap3A_857 : i32 to index
      %swap3A_859 = arith.index_cast %mul3A_856 : i32 to index
      %swap3A_860 = tpu.vector_load %arg8[%swap3A_858, %swap3A_859] {strides = array<i32>} : memref<16x512xf32, #tpu.memory_space<vmem>>, vector<16xf32>,
      tpu.vector_store %arg8[%swap3A_858, %swap3A_859], %select_n3A_854 {strides = array<i32>} : memref<16x512xf32, #tpu.memory_space<vmem>>, vector<16xf32>,
      %broadcast_in_dim3A_861 = arith.constant 13 : i32
      %broadcast_in_dim3A_862 = vector.broadcast %broadcast_in_dim3A_861 : i32 to vector<16xi32>
      %gather3A_863 = tpu.vector_load_idx %arg6[%iota3A_719, %broadcast_in_dim3A_862, %and3A_708] : memref<16x16x128xf32, #tpu.memory_space<vmem>>[vector<16xi32>, vector<16xi32>, vector<16xi32>], vector<16xf32>,
      %gather3A_864 = tpu.vector_load_idx %arg7[%broadcast_in_dim3A_862, %min3A_718] : memref<16x64xf32, #tpu.memory_space<vmem>>[vector<16xi32>, vector<16xi32>], vector<16xf32>,
      %select_n3A_865 = arith.select %gt3A_710, %gather3A_864, %gather3A_863 : vector<16xi1>, vector<16xf32>
      %mul3A_866 = arith.constant 16 : i32
      %mul3A_867 = arith.muli %scan3A_9, %mul3A_866 : i32
      %swap3A_868 = arith.constant 13 : i32
      %swap3A_869 = arith.index_cast %swap3A_868 : i32 to index
      %swap3A_870 = arith.index_cast %mul3A_867 : i32 to index
      %swap3A_871 = tpu.vector_load %arg8[%swap3A_869, %swap3A_870] {strides = array<i32>} : memref<16x512xf32, #tpu.memory_space<vmem>>, vector<16xf32>,
      tpu.vector_store %arg8[%swap3A_869, %swap3A_870], %select_n3A_865 {strides = array<i32>} : memref<16x512xf32, #tpu.memory_space<vmem>>, vector<16xf32>,
      %broadcast_in_dim3A_872 = arith.constant 14 : i32
      %broadcast_in_dim3A_873 = vector.broadcast %broadcast_in_dim3A_872 : i32 to vector<16xi32>
      %gather3A_874 = tpu.vector_load_idx %arg6[%iota3A_719, %broadcast_in_dim3A_873, %and3A_708] : memref<16x16x128xf32, #tpu.memory_space<vmem>>[vector<16xi32>, vector<16xi32>, vector<16xi32>], vector<16xf32>,
      %gather3A_875 = tpu.vector_load_idx %arg7[%broadcast_in_dim3A_873, %min3A_718] : memref<16x64xf32, #tpu.memory_space<vmem>>[vector<16xi32>, vector<16xi32>], vector<16xf32>,
      %select_n3A_876 = arith.select %gt3A_710, %gather3A_875, %gather3A_874 : vector<16xi1>, vector<16xf32>
      %mul3A_877 = arith.constant 16 : i32
      %mul3A_878 = arith.muli %scan3A_9, %mul3A_877 : i32
      %swap3A_879 = arith.constant 14 : i32
      %swap3A_880 = arith.index_cast %swap3A_879 : i32 to index
      %swap3A_881 = arith.index_cast %mul3A_878 : i32 to index
      %swap3A_882 = tpu.vector_load %arg8[%swap3A_880, %swap3A_881] {strides = array<i32>} : memref<16x512xf32, #tpu.memory_space<vmem>>, vector<16xf32>,
      tpu.vector_store %arg8[%swap3A_880, %swap3A_881], %select_n3A_876 {strides = array<i32>} : memref<16x512xf32, #tpu.memory_space<vmem>>, vector<16xf32>,
      %broadcast_in_dim3A_883 = arith.constant 15 : i32
      %broadcast_in_dim3A_884 = vector.broadcast %broadcast_in_dim3A_883 : i32 to vector<16xi32>
      %gather3A_885 = tpu.vector_load_idx %arg6[%iota3A_719, %broadcast_in_dim3A_884, %and3A_708] : memref<16x16x128xf32, #tpu.memory_space<vmem>>[vector<16xi32>, vector<16xi32>, vector<16xi32>], vector<16xf32>,
      %gather3A_886 = tpu.vector_load_idx %arg7[%broadcast_in_dim3A_884, %min3A_718] : memref<16x64xf32, #tpu.memory_space<vmem>>[vector<16xi32>, vector<16xi32>], vector<16xf32>,
      %select_n3A_887 = arith.select %gt3A_710, %gather3A_886, %gather3A_885 : vector<16xi1>, vector<16xf32>
      %mul3A_888 = arith.constant 16 : i32
      %mul3A_889 = arith.muli %scan3A_9, %mul3A_888 : i32
      %swap3A_890 = arith.constant 15 : i32
      %swap3A_891 = arith.index_cast %swap3A_890 : i32 to index
      %swap3A_892 = arith.index_cast %mul3A_889 : i32 to index
      %swap3A_893 = tpu.vector_load %arg8[%swap3A_891, %swap3A_892] {strides = array<i32>} : memref<16x512xf32, #tpu.memory_space<vmem>>, vector<16xf32>,
      tpu.vector_store %arg8[%swap3A_891, %swap3A_892], %select_n3A_887 {strides = array<i32>} : memref<16x512xf32, #tpu.memory_space<vmem>>, vector<16xf32>,
      %scan3A_894 = arith.constant 0 : i32
      scf.yield %scan3A_894 : i32
    }
    %scan3A_8 = arith.constant 32 : i32
    "tpu.region"() ({
      %run_scoped3A = tpu.sem_alloc : memref<!tpu.dma_semaphore, #tpu.memory_space<semaphore_mem>>
      %dma_start3A = arith.constant 0 : i32
      %dma_start3A_9 = tpu.memref_slice %arg4[%dma_start3A, %mul3A_2] : memref<16x16384xf32, #tpu.memory_space<hbm>> -> memref<16x512xf32, #tpu.memory_space<hbm>>
      %dma_start3A_10 = arith.constant 0 : i32
      %dma_start3A_11 = tpu.memref_slice %arg4[%dma_start3A_10, %mul3A_2] : memref<16x16384xf32, #tpu.memory_space<hbm>> -> memref<16x512xf32, #tpu.memory_space<hbm>>
      tpu.enqueue_dma source(%arg8 : memref<16x512xf32, #tpu.memory_space<vmem>>) target(%dma_start3A_11 : memref<16x512xf32, #tpu.memory_space<hbm>>) target_semaphore(%run_scoped3A : memref<!tpu.dma_semaphore, #tpu.memory_space<semaphore_mem>>)
      %dma_wait3A = arith.constant 0 : i32
      %dma_wait3A_12 = tpu.memref_slice %arg4[%dma_wait3A, %mul3A_2] : memref<16x16384xf32, #tpu.memory_space<hbm>> -> memref<16x512xf32, #tpu.memory_space<hbm>>
      %dma_wait3A_13 = arith.constant 0 : i32
      %dma_wait3A_14 = tpu.memref_slice %arg4[%dma_wait3A_13, %mul3A_2] : memref<16x16384xf32, #tpu.memory_space<hbm>> -> memref<16x512xf32, #tpu.memory_space<hbm>>
      tpu.wait_dma2 semaphore(%run_scoped3A : memref<!tpu.dma_semaphore, #tpu.memory_space<semaphore_mem>>) src(%arg8 : memref<16x512xf32, #tpu.memory_space<vmem>>) dst(%dma_wait3A_14 : memref<16x512xf32, #tpu.memory_space<hbm>>)
      tpu.yield
    }) : () -> ()
    return
  }
}

</mosaic_0001>

<sc_bundles>
// kernel: kernel.3.cloned.1.call-start
scs
__scs_entry_jumppad:
0x0: {  	(pc) =	sbr.rel $0x88, $3  }
0x1: {  	(tag) =	ssettag $0x0;
	lr =	simm.s32 $0x1  }
0x2: {  	[smem:$0x3F9F] =	sst lr;
	_ =	strace $0xD0000000  }
0x3: {  	_ = 	snop  }
0x4: {  	_ = 	snop  }
0x5: {  	_ = 	snop  }
0x6: {  	_ = 	snop  }
0x7: {  	_ = 	snop  }
__scs_overlays_trampoline_lowered:
0x8: {  	[smem:$0x3FAE] =	sst s0  }
0x9: {  	[smem:$0x3FAF] =	sst s1  }
0xa: {  	[smem:$0x3FB0] =	sst s2  }
0xb: {  	[smem:$0x3FB1] =	sst s3  }
0xc: {  	[smem:$0x3FB2] =	sst s4  }
0xd: {  	[smem:$0x3FB3] =	sst s5  }
0xe: {  	[smem:$0x3FB4] =	sst s6  }
0xf: {  	[smem:$0x3FB5] =	sst s7  }
0x10: {  	[smem:$0x3FB6] =	sst s8  }
0x11: {  	[smem:$0x3FB7] =	sst s9;
	s0 =	simm.s32 @!p0 $0x0  }
0x12: {  	s1 =	sld [smem:$0x3F9D];
	s0 =	simm.s32 @p0 $0x1  }
0x13: {  	[smem:$0x3FB8] =	sst s0;
	s0 =	simm.s32 @!p1 $0x0  }
0x14: {  	s2 =	sld [smem:$0x3F9C];
	s0 =	simm.s32 @p1 $0x1  }
0x15: {  	[smem:$0x3FB9] =	sst s0;
	s0 =	simm.s32 @!p2 $0x0  }
0x16: {  	s3 =	sld [smem:$0x3FDB];
	s0 =	simm.s32 @p2 $0x1  }
0x17: {  	s4 =	simm.s32 $0x1BF5;
	[smem:$0x3FBB] =	sst s0  }
0x18: {  	s0 =	sld [smem:$0x3F9E];
	_ =	swait.ge [sflag:s4], $0x0  }
0x19: {  	s7 =	sld [smem:$0x3F9F]  }
0x1a: {  	s8 =	sadd.s32 $0xFFFFE003, lr  }
0x1b: {  	s9 =	sadd.s32 $0xFFFFFEF7, lr;
	s5 =	simm.s32 $0xFFFFFFFF;
	p2 =	slt.u32 s8, $0xFFFFF086  }
0x1c: {  	p1 =	slt.u32 s9, $0xF7A;
	s5 =	simm.s32 @!p2 $0x0  }
0x1d: {  	s5 =	simm.s32 @p1 $0x1;
	p0 =	seq.s32 s7, s2  }
0x1e: {  	s7 =	smul.u32 @!p0 $0xF7A, s2;
	p2 =	seq.s32 @!p0 s5, $0x0  }
0x1f: {  	s9 =	smul.u32 $0xF7A, s1;
	s8 =	simm.s32 @!p0 $0x1BF5;
	p2 =	por !p2, p0  }
0x20: {  	[sflag:s8] =	ssyncset.s32 @!p0 $0xFFFFF086;
	s6 =	sadd.s32 @!p0 s3, s7;
	s7 =	simm.s32 @!p0 $0x108  }
0x21: {  	s3 =	sadd.s32 s3, s9;
	s6 =	sadd.s32 @!p0 $0x88, s6;
	s7 =	simm.s32 @p2 $0x1082  }
0x22: {  	[simem:s7], [sflag:s8] =	dma.local @!p0 [hbm:s6], $0xF7A  }
0x23: {  	s9 =	sor.u32 $0xD0000000, s2;
	s6 =	simm.s32 $0x108;
	_ =	swait.ge @!p0 [sflag:s8], $0x0  }
0x24: {  	s3 =	sadd.s32 $0x88, s3;
	s6 =	simm.s32 @!p1 $0x1082;
	[sflag:s4] =	ssyncset.s32 $0xFFFFF086  }
0x25: {  	[simem:s6], [sflag:s4] =	dma.local [hbm:s3], $0xF7A  }
0x26: {  	[smem:$0x3F9F] =	sst s1;
	(tag) =	ssettag s2;
	_ =	strace s9  }
0x27: {  	s1 =	sld [smem:$0x3FAF]  }
0x28: {  	s2 =	sld [smem:$0x3FB0]  }
0x29: {  	s4 =	sld [smem:$0x3FB2]  }
0x2a: {  	p0 =	seq.s32 s5, $0x0;
	s5 =	sld [smem:$0x3FB3]  }
0x2b: {  	s6 =	sld [smem:$0x3FB4]  }
0x2c: {  	s7 =	sld [smem:$0x3FB5]  }
0x2d: {  	s3 =	simm.s32 $0x108;
	s8 =	sld [smem:$0x3FB6]  }
0x2e: {  	s3 =	simm.s32 @!p0 $0x1082;
	s9 =	sld [smem:$0x3FB7]  }
0x2f: {  	lr =	sadd.s32 s0, s3;
	s0 =	sld [smem:$0x3FAE]  }
0x30: {  	s3 =	sld [smem:$0x3FB1]  }
0x31: {  	[smem:$0x3FBA] =	sst s10  }
0x32: {  	s10 =	sld [smem:$0x3FB8];
	_ =	sdelay $0x3  }
0x33: {  	p0 =	seq.s32 s10, $0x1;
	s10 =	sld [smem:$0x3FBA];
	_ =	sdelay $0x3  }
0x34: {  	[smem:$0x3FBA] =	sst s10  }
0x35: {  	s10 =	sld [smem:$0x3FB9];
	_ =	sdelay $0x3  }
0x36: {  	p1 =	seq.s32 s10, $0x1;
	s10 =	sld [smem:$0x3FBA];
	_ =	sdelay $0x3  }
0x37: {  	[smem:$0x3FBA] =	sst s10  }
0x38: {  	s10 =	sld [smem:$0x3FBB]  }
0x39: {  	_ = 	snop;
	(pc) =	sbr.ind lr, $3  }
0x3a: {  	_ = 	snop  }
0x3b: {  	_ = 	snop  }
0x3c: {  	p2 =	seq.s32 s10, $0x1;
	s10 =	sld [smem:$0x3FBA]  }
0x3d: {  	_ =	shalt  }
0x3e: {  	_ =	shalt  }
0x3f: {  	_ =	shalt  }
0x40: {  	_ =	shalt  }
0x41: {  	_ =	shalt  }
0x42: {  	_ =	shalt  }
0x43: {  	_ =	shalt  }
0x44: {  	_ =	shalt  }
0x45: {  	_ =	shalt  }
0x46: {  	_ =	shalt  }
0x47: {  	_ =	shalt  }
0x48: {  	_ =	shalt  }
0x49: {  	_ =	shalt  }
0x4a: {  	_ =	shalt  }
0x4b: {  	_ =	shalt  }
0x4c: {  	_ =	shalt  }
0x4d: {  	_ =	shalt  }
0x4e: {  	_ =	shalt  }
0x4f: {  	_ =	shalt  }
0x50: {  	_ =	shalt  }
0x51: {  	_ =	shalt  }
0x52: {  	_ =	shalt  }
0x53: {  	_ =	shalt  }
0x54: {  	_ =	shalt  }
0x55: {  	_ =	shalt  }
0x56: {  	_ =	shalt  }
0x57: {  	_ =	shalt  }
0x58: {  	_ =	shalt  }
0x59: {  	_ =	shalt  }
0x5a: {  	_ =	shalt  }
0x5b: {  	_ =	shalt  }
0x5c: {  	_ =	shalt  }
0x5d: {  	_ =	shalt  }
0x5e: {  	_ =	shalt  }
0x5f: {  	_ =	shalt  }
0x60: {  	_ =	shalt  }
0x61: {  	_ =	shalt  }
0x62: {  	_ =	shalt  }
0x63: {  	_ =	shalt  }
0x64: {  	_ =	shalt  }
0x65: {  	_ =	shalt  }
0x66: {  	_ =	shalt  }
0x67: {  	_ =	shalt  }
0x68: {  	_ =	shalt  }
0x69: {  	_ =	shalt  }
0x6a: {  	_ =	shalt  }
0x6b: {  	_ =	shalt  }
0x6c: {  	_ =	shalt  }
0x6d: {  	_ =	shalt  }
0x6e: {  	_ =	shalt  }
0x6f: {  	_ =	shalt  }
0x70: {  	_ =	shalt  }
0x71: {  	_ =	shalt  }
0x72: {  	_ =	shalt  }
0x73: {  	_ =	shalt  }
0x74: {  	_ =	shalt  }
0x75: {  	_ =	shalt  }
0x76: {  	_ =	shalt  }
0x77: {  	_ =	shalt  }
0x78: {  	_ =	shalt  }
0x79: {  	_ =	shalt  }
0x7a: {  	_ =	shalt  }
0x7b: {  	_ =	shalt  }
0x7c: {  	_ =	shalt  }
0x7d: {  	_ =	shalt  }
0x7e: {  	_ =	shalt  }
0x7f: {  	_ =	shalt  }
0x80: {  	_ =	shalt  }
0x81: {  	_ =	shalt  }
0x82: {  	_ =	shalt  }
0x83: {  	_ =	shalt  }
0x84: {  	_ =	shalt  }
0x85: {  	_ =	shalt  }
0x86: {  	_ =	shalt  }
0x87: {  	_ =	shalt  }
.Lfunc_end0:
.L_simem_size_0:
called_computation_lowered:
.L_overlay_start_0:
0x88: {  	s2 =	sld [smem:$0x3FD9]  }
0x89: {  	s3 =	sld [smem:$0x3FFE];
	_ =	sdelay $0x1  }
0x8a: {  	s1 =	srdreg.scid  }
0x8b: {  	s0 =	sand.u32 $0x1, s1  }
0x8c: {  	s18 =	sshll.u32 s0, $0xA;
	s2 =	sadd.s32 s3, s2  }
0x8d: {  	s2 =	sadd.s32 s2, s18  }
0x8e: {  	[smem:$0x3FC6] =	sst s2  }
0x8f: {  	_ = 	snop  }
0x90: {  	s2 =	sld [smem:$0x3FC9]  }
0x91: {  	s19 =	sld [smem:$0x3FC8]  }
0x92: {  	s4 =	sld [smem:$0x3FD0];
	(tm) =	ssettm $0x1  }
0x93: {  	s5 =	sld [smem:$0x3FFB];
	_ =	sdelay $0x3  }
0x94: {  	_ =	strace s5  }
0x95: {  	s5 =	sld [smem:$0x3FFC];
	_ =	sdelay $0x3  }
0x96: {  	_ =	strace s5  }
0x97: {  	s5 =	sld [smem:$0x3FFD];
	_ =	sdelay $0x3  }
0x98: {  	_ =	strace s5  }
0x99: {  	_ =	strace $0x8FFFFFFF  }
0x9a: {  	s20 =	sld [smem:$0x3FDB];
	_ =	sdelay $0x1  }
0x9b: {  	s6 =	simm.s32 $_scs_section_size  }
0x9c: {  	s7 =	simm.s32 $_size__tile_overlayer_lowered;
	s8 =	simm.s32 $_tile_overlayer_lowered  }
0x9d: {  	s23 =	simm.s32 $0x1BFF;
	s22 =	sshll.u32 s8, $0x1;
	s5 =	sadd.s32 s6, s20  }
0x9e: {  	s9 =	simm.s32 $0x0;
	s21 =	sshll.u32 s7, $0x1;
	s7 =	sadd.s32 s22, s5  }
0x9f: {  	[timem:s9], [sflag:s23] =	dma.local [hbm:s7], s21  }
0xa0: {  	_ =	swait.ge [sflag:s23], s21  }
0xa1: {  	s6 =	ssub.s32 $0x0, s21;
	[sflag:s23] =	ssyncset.done $0x0  }
0xa2: {  	[sflag:s23] =	ssyncadd.s32 s6;
	_ =	sdelay $0x1  }
0xa3: {  	s24 =	simm.s32 $0x1B8B  }
0xa4: {  	_ =	swait.ge [sflag:s24], $0x1  }
0xa5: {  	[sflag:s24] =	ssyncset.done $0x0  }
0xa6: {  	s25 =	simm.s32 $0x1B8E;
	[sflag:s24] =	ssyncadd.s32 $0xFFFFFFFF  }
0xa7: {  	s26 =	simm.s32 $execute0_lowered;
	[smem:$0x3FD2] =	sst s25  }
0xa8: {  	s6 =	sshll.u32 s26, $0x1;
	_ =	strace $0x80000046;
	[dreg:$0x1] =	wrdreg $0xFFFFFFFF  }
0xa9: {  	s28 =	simm.s32 $_size_execute0_lowered;
	s5 =	sadd.s32 s5, s6;
	[dreg:$0x0] =	wrdreg $0x0  }
0xaa: {  	s6 =	sshll.u32 s28, $0x1;
	[dreg:$0x2] =	wrdreg s5  }
0xab: {  	[dreg:$0x3] =	wrdreg s6  }
0xac: {  	[dreg:$0x4] =	wrdreg $0xC0  }
0xad: {  	_ =	task [dreg:s9], $0x5FFFF  }
0xae: {  	[dreg:$0x1] =	wrdreg $0xFFFFFFFF  }
0xaf: {  	[dreg:$0x0] =	wrdreg $0x60  }
0xb0: {  	[dreg:$0x2] =	wrdreg s2  }
0xb1: {  	[dreg:$0x3] =	wrdreg s19  }
0xb2: {  	[dreg:$0x4] =	wrdreg s4  }
0xb3: {  	[dreg:$0x5] =	wrdreg $0x9  }
0xb4: {  	_ =	task.clear_ibuf [dreg:s9], $0x6FFFF;
	_ =	strace $0x90000046  }
0xb5: {  	s29 =	simm.s32 $0x9;
	_ =	strace $0x80000048  }
0xb6: {  	_ =	swait.ge [sflag:s29], $0x1  }
0xb7: {  	[sflag:s29] =	ssyncadd.s32 $0xFFFFFFFF  }
0xb8: {  	_ =	strace $0x90000048  }
0xb9: {  	_ =	sfence  }
0xba: {  	s30 =	sld [smem:$0x0];
	_ =	sdelay $0x2  }
0xbb: {  	s31 =	sshll.u32 s1, $0xD;
	s1 =	sshrl.u32 s1, $0x2  }
0xbc: {  	s3 =	sand.u32 $0x4000, s31;
	s1 =	sadd.s32 s1, s30  }
0xbd: {  	s0 =	sor.u32 s3, s0;
	s1 =	sshll.u32 s1, $0x11  }
0xbe: {  	s0 =	sor.u32 s1, s0  }
0xbf: {  	s0 =	sadd.s32 $0x8F2B, s0  }
0xc0: {  	[sflag:s0] =	ssyncadd.remote.s32 $0x1  }
0xc1: {  	_ =	sfence.sel $0xFFFF  }
0xc2: {  	[dreg:$0x0] =	wrdreg $0xFFFFFFFF;
	(pc) =	sbr.abs _section_cstart, $3  }
0xc3: {  	[dreg:$0x1] =	wrdreg $0xFFFFFFFF  }
0xc4: {  	_ =	task.clear_ibuf [dreg:s9], $0x2FFFF;
	_ =	strace $0x9FFFFFFF  }
0xc5: {  	(tm) =	ssettm $0x7FFFFFFF  }
tec
execute0_lowered:
.L_overlay_start_1:
0x0: {  	(tag) =	ssettag $0x1  }
0x1: {  	s4 =	rddreg [dreg:$0x0]  }
0x2: {  	s1 =	rddreg [dreg:$0x1]  }
0x3: {  	s6 =	rddreg [dreg:$0x2];
	s2 =	simm.s32 $0x0  }
0x4: {  	s9 =	simm.s32 $0xA00;
	[smem:$0x7FF] =	sst s2  }
0x5: {  	s17 =	simm.s32 $0x1200;
	_ =	strace $0x80000047;
	[dreg:$0x4] =	wrdreg s9  }
0x6: {  	s19 =	simm.s32 $0x1A00;
	[dreg:$0x5] =	wrdreg s17  }
0x7: {  	s20 =	simm.s32 $0x2200;
	[dreg:$0x6] =	wrdreg s19  }
0x8: {  	s21 =	simm.s32 $0x2A00;
	[dreg:$0x7] =	wrdreg s20  }
0x9: {  	s23 =	simm.s32 $0x3200;
	[dreg:$0x8] =	wrdreg s21  }
0xa: {  	s26 =	sadd.s32 $0xF4200, s1;
	[dreg:$0x9] =	wrdreg s23  }
0xb: {  	s25 =	simm.s32 $0x3A00;
	[dreg:$0x14] =	wrdreg s26  }
0xc: {  	s28 =	simm.s32 $0x4200;
	[dreg:$0xa] =	wrdreg s25  }
0xd: {  	s3 =	srdreg.scid;
	s29 =	simm.s32 $0x4A00;
	[dreg:$0xb] =	wrdreg s28  }
0xe: {  	s0 =	stileid.u32;
	vm0 =	vmmov $0x1;
	s30 =	simm.s32 $0x5200;
	[dreg:$0xc] =	wrdreg s29  }
0xf: {  	vm6 =	vcmask $0x1318;
	vm7 =	vcmask $0x171C;
	v0 =	vlaneseq.u32;
	s10 =	simm.s32 $0x5A00;
	s11 =	simm.s32 $0x6200;
	[dreg:$0xd] =	wrdreg s30  }
0x10: {  	vm15 =	vmmov $0x7fff;
	s12 =	simm.s32 $0x6A00;
	s13 =	simm.s32 $0x7200;
	vm3 =	vcmask $0x70C;
	vm4 =	vcmask $0xB10;
	[dreg:$0xe] =	wrdreg s10  }
0x11: {  	s31 =	simm.s32 $0x7A00;
	vm5 =	vcmask $0xF14;
	vm8 =	vcmask $0x1B20;
	vm9 =	vcmask $0x1F24;
	s5 =	sand.u32 $0x1, s3;
	[dreg:$0xf] =	wrdreg s11  }
0x12: {  	vm10 =	vcmask $0x2328;
	vm11 =	vcmask $0x272C;
	s18 =	sshll.u32 s0, $0xA;
	v0 =	vmul.u32 $0x800, v0;
	s7 =	ssub.s32 $0x2, s5;
	[dreg:$0x10] =	wrdreg s12  }
0x13: {  	vm12 =	vcmask $0x2B30;
	vm13 =	vcmask $0x2F34;
	vm14 =	vcmask $0x3338;
	s5 =	sshll.u32 s5, $0x9;
	s10 =	simm.s32 $0x7A1400;
	[dreg:$0x11] =	wrdreg s13  }
0x14: {  	s11 =	simm.s32 $0x8200;
	s12 =	simm.s32 $0x200;
	[dreg:$0x12] =	wrdreg s31;
	v1 =	vor.u32 $0x80, v0;
	v2 =	vor.u32 $0x100, v0;
	v3 =	vor.u32 $0x180, v0  }
0x15: {  	s13 =	simm.s32 $0x1;
	s8 =	sshrl.u32 s7, $0x1;
	s9 =	sor.u32 s5, s18;
	v4 =	vor.u32 $0x200, v0;
	v5 =	vor.u32 $0x280, v0;
	v6 =	vor.u32 $0x300, v0  }
0x16: {  	s17 =	simm.s32 $0x0;
	v7 =	vor.u32 $0x380, v0;
	v8 =	vor.u32 $0x400, v0;
	v9 =	vor.u32 $0x480, v0;
	s7 =	ssub.s32 s7, s8;
	s22 =	sshrl.u32 s9, $0x3  }
0x17: {  	v10 =	vor.u32 $0x500, v0;
	v11 =	vor.u32 $0x580, v0;
	v12 =	vor.u32 $0x600, v0;
	s6 =	sadd.s32 s6, s9;
	s8 =	simm.s32 $0x2;
	s24 =	sadd.s32 s4, s22  }
0x18: {  	v13 =	vor.u32 $0x680, v0;
	v14 =	vor.u32 $0x700, v0;
	v15 =	vor.u32 $0x780, v0;
	s9 =	simm.s32 $0x400;
	s7 =	smax.u32 s7, $0x1;
	[dreg:$0x13] =	wrdreg s24  }
.LBB2_1:
0x19: {  	s0 =	rddreg [dreg:$0x13]  }
0x1a: {  	[tilespmem:s2], [sflag:$0x2] =	stream.linear.gather [hbm4b:s0+s2], $0x200, $0x38;
	[tilespmem:$0xAA00] =	vst v63  }
0x1b: {  	_ =	swait.ge [sflag:s8], $0x200  }
0x1c: {  	[sflag:s8] =	ssyncset.done $0x0  }
0x1d: {  	s31 =	rddreg [dreg:$0x14];
	[sflag:s8] =	ssyncadd.s32 $0xFFFFFE00  }
0x1e: {  	[tilespmem:s11], [sflag:$0x2] =	stream.strided.gather [hbm4b:s31+s9], $0x800, s10, s9, $0x38;
	[tilespmem:$0xAA00] =	vst v63  }
0x1f: {  	_ =	swait.ge [sflag:s8], $0x800  }
0x20: {  	[sflag:s8] =	ssyncset.done $0x0  }
0x21: {  	[sflag:s8] =	ssyncadd.s32 $0xFFFFF800  }
0x22: {  	v16 =	vld [tilespmem:s2+$0x0];
	_ =	sdelay $0x4  }
0x23: {  	v16 =	vshra.s32 v16, $0x7  }
0x24: {  	vm1 =	vgt.s32 v16, $0x0  }
0x25: {  	v16 =	vnsel vm1, $0x0, v16  }
0x26: {  	v16 =	vmin.u32 v16, $0x1E83  }
0x27: {  	vm2 =	vcmask $0x308;
	v17 =	vnsel vm0, $0x0, v16  }
0x28: {  	v18 =	vsel vm2, $0x0, v16;
	v17 =	vor.u32 $0x80000000, v17  }
0x29: {  	v19 =	vsel vm3, $0x0, v16;
	v18 =	vor.u32 $0x80000000, v18;
	(xrf0) =	vmax.scan.msk.u32 $0xffff, v17  }
0x2a: {  	v17 =	vor.u32 $0x80000000, v19;
	(xrf0) =	vmax.scan.msk.u32 $0xffff, v18  }
0x2b: {  	(xrf0) =	vmax.scan.msk.u32 $0xffff, v17  }
0x2c: {  	v17 =	vsel vm4, $0x0, v16  }
0x2d: {  	v17 =	vor.u32 $0x80000000, v17;
	_ =	sdelay $0x1  }
0x2e: {  	v18, _, _ =	vpop (xrf0)  }
0x2f: {  	(xrf0) =	vmax.scan.msk.u32 $0xffff, v17;
	(v2sf) =	vpush v18, $0xF;
	v17, _, _ =	vpop (xrf0);
	v18 =	vsel vm7, $0x0, v16  }
0x30: {  	v19 =	vsel vm6, $0x0, v16;
	(v2sf) =	vpush v17, $0xF;
	v17, _, _ =	vpop (xrf0);
	v18 =	vor.u32 $0x80000000, v18  }
0x31: {  	(v2sf) =	vpush v17, $0xF;
	v17 =	vor.u32 $0x80000000, v19;
	(xrf0) =	vmax.scan.msk.u32 $0xffff, v18;
	v18 =	vsel vm5, $0x0, v16  }
0x32: {  	(xrf0) =	vmax.scan.msk.u32 $0xffff, v17;
	v17 =	vor.u32 $0x80000000, v18;
	_ =	sdelay $0x1  }
0x33: {  	(xrf0) =	vmax.scan.msk.u32 $0xffff, v17  }
0x34: {  	v17, _, _ =	vpop (xrf0)  }
0x35: {  	(v2sf) =	vpush v17, $0xF;
	_ =	sdelay $0x1  }
0x36: {  	v17, _, _ =	vpop (xrf0)  }
0x37: {  	v18, _, _ =	vpop (xrf0);
	(v2sf) =	vpush v17, $0xF  }
0x38: {  	(v2sf) =	vpush v18, $0xF;
	v17, _, _ =	vpop (xrf0);
	v18 =	vsel vm8, $0x0, v16  }
0x39: {  	(v2sf) =	vpush v17, $0xF;
	v17 =	vor.u32 $0x80000000, v18  }
0x3a: {  	(xrf0) =	vmax.scan.msk.u32 $0xffff, v17  }
0x3b: {  	v17 =	vsel vm9, $0x0, v16  }
0x3c: {  	v17 =	vor.u32 $0x80000000, v17;
	s18 =	spop (v2sf)  }
0x3d: {  	v18 =	vsel vm10, $0x0, v16;
	(xrf0) =	vmax.scan.msk.u32 $0xffff, v17;
	s18 =	sshll.u32 s18, $0x7;
	s19 =	spop (v2sf)  }
0x3e: {  	v17 =	vor.u32 $0x80000000, v18;
	s18 =	sand.u32 $0x1FFFFF80, s18;
	s19 =	sshll.u32 s19, $0x7  }
0x3f: {  	(xrf0) =	vmax.scan.msk.u32 $0xffff, v17;
	v17 =	vsel vm11, $0x0, v16;
	s20 =	spop (v2sf);
	s18 =	sadd.s32 s1, s18;
	s19 =	sand.u32 $0x1FFFFF80, s19  }
0x40: {  	v17 =	vor.u32 $0x80000000, v17;
	v18, _, _ =	vpop (xrf0);
	[tilespmem:s12], [sflag:$0x1] =	stream.strided.gather [hbm4b:s18+s9], $0x800, s10, s9, $0x38;
	[tilespmem:$0xAA00] =	vst v63  }
0x41: {  	s21 =	rddreg [dreg:$0x4];
	s20 =	sshll.u32 s20, $0x7;
	(xrf0) =	vmax.scan.msk.u32 $0xffff, v17;
	s19 =	sadd.s32 s1, s19;
	(v2sf) =	vpush v18, $0xF  }
0x42: {  	v17 =	vsel vm12, $0x0, v16;
	[tilespmem:s21], [sflag:$0x1] =	stream.strided.gather [hbm4b:s19+s9], $0x800, s10, s9, $0x38;
	[tilespmem:$0xAA00] =	vst v63  }
0x43: {  	s20 =	sand.u32 $0x1FFFFF80, s20;
	v17 =	vor.u32 $0x80000000, v17;
	v18, _, _ =	vpop (xrf0);
	s3 =	spop (v2sf)  }
0x44: {  	s0 =	rddreg [dreg:$0x5];
	s20 =	sadd.s32 s1, s20;
	(v2sf) =	vpush v18, $0xF;
	s19 =	sshll.u32 s3, $0x7  }
0x45: {  	[tilespmem:s0], [sflag:$0x1] =	stream.strided.gather [hbm4b:s20+s9], $0x800, s10, s9, $0x38;
	[tilespmem:$0xAA00] =	vst v63  }
0x46: {  	(xrf0) =	vmax.scan.msk.u32 $0xffff, v17;
	v18 =	vsel vm13, $0x0, v16;
	v17, _, _ =	vpop (xrf0);
	s5 =	spop (v2sf);
	s19 =	sand.u32 $0x1FFFFF80, s19  }
0x47: {  	s4 =	rddreg [dreg:$0x6];
	(v2sf) =	vpush v17, $0xF;
	v17 =	vor.u32 $0x80000000, v18;
	s14 =	spop (v2sf);
	s19 =	sadd.s32 s1, s19  }
0x48: {  	[tilespmem:s4], [sflag:$0x1] =	stream.strided.gather [hbm4b:s19+s9], $0x800, s10, s9, $0x38;
	[tilespmem:$0xAA00] =	vst v63  }
0x49: {  	s15 =	spop (v2sf)  }
0x4a: {  	v18 =	vsel vm14, $0x0, v16;
	(xrf0) =	vmax.scan.msk.u32 $0xffff, v17;
	v17, _, _ =	vpop (xrf0);
	s19 =	sshll.u32 s15, $0x7  }
0x4b: {  	s16 =	rddreg [dreg:$0x7];
	s20 =	sshll.u32 s14, $0x7;
	(v2sf) =	vpush v17, $0xF;
	v17 =	vor.u32 $0x80000000, v18;
	s19 =	sand.u32 $0x1FFFFF80, s19  }
0x4c: {  	s18 =	sshll.u32 s5, $0x7;
	s20 =	sand.u32 $0x1FFFFF80, s20;
	s19 =	sadd.s32 s1, s19  }
0x4d: {  	[tilespmem:s16], [sflag:$0x1] =	stream.strided.gather [hbm4b:s19+s9], $0x800, s10, s9, $0x38;
	[tilespmem:$0xAA00] =	vst v63  }
0x4e: {  	s22 =	rddreg [dreg:$0x8];
	s18 =	sand.u32 $0x1FFFFF80, s18;
	(xrf0) =	vmax.scan.msk.u32 $0xffff, v17;
	s20 =	sadd.s32 s1, s20;
	v17, _, _ =	vpop (xrf0)  }
0x4f: {  	vm2 =	vcmask $0x373C;
	(v2sf) =	vpush v17, $0xF;
	[tilespmem:s22], [sflag:$0x1] =	stream.strided.gather [hbm4b:s20+s9], $0x800, s10, s9, $0x38;
	[tilespmem:$0xAA00] =	vst v63  }
0x50: {  	s23 =	rddreg [dreg:$0x9];
	s18 =	sadd.s32 s1, s18;
	v17 =	vsel vm2, $0x0, v16;
	v16 =	vsel vm15, $0x0, v16;
	s24 =	spop (v2sf)  }
0x51: {  	v18, _, _ =	vpop (xrf0);
	v17 =	vor.u32 $0x80000000, v17;
	v16 =	vor.u32 $0x80000000, v16;
	[tilespmem:s23], [sflag:$0x1] =	stream.strided.gather [hbm4b:s18+s9], $0x800, s10, s9, $0x38;
	[tilespmem:$0xAA00] =	vst v63  }
0x52: {  	(v2sf) =	vpush v18, $0xF;
	(xrf0) =	vmax.scan.msk.u32 $0xffff, v17;
	s19 =	sshll.u32 s24, $0x7  }
0x53: {  	s26 =	spop (v2sf);
	s19 =	sand.u32 $0x1FFFFF80, s19  }
0x54: {  	s25 =	rddreg [dreg:$0xa];
	(xrf0) =	vmax.scan.msk.u32 $0xffff, v16;
	v16, _, _ =	vpop (xrf0);
	s18 =	sshll.u32 s26, $0x7;
	s19 =	sadd.s32 s1, s19  }
0x55: {  	(v2sf) =	vpush v16, $0xF;
	[tilespmem:s25], [sflag:$0x1] =	stream.strided.gather [hbm4b:s19+s9], $0x800, s10, s9, $0x38;
	[tilespmem:$0xAA00] =	vst v63  }
0x56: {  	s18 =	sand.u32 $0x1FFFFF80, s18;
	s29 =	spop (v2sf)  }
0x57: {  	s28 =	rddreg [dreg:$0xb];
	s19 =	sshll.u32 s29, $0x7;
	s18 =	sadd.s32 s1, s18  }
0x58: {  	v16, _, _ =	vpop (xrf0);
	[tilespmem:s28], [sflag:$0x1] =	stream.strided.gather [hbm4b:s18+s9], $0x800, s10, s9, $0x38;
	[tilespmem:$0xAA00] =	vst v63  }
0x59: {  	(v2sf) =	vpush v16, $0xF;
	s19 =	sand.u32 $0x1FFFFF80, s19  }
0x5a: {  	s30 =	rddreg [dreg:$0xc];
	v16, _, _ =	vpop (xrf0);
	s19 =	sadd.s32 s1, s19;
	s31 =	spop (v2sf)  }
0x5b: {  	(v2sf) =	vpush v16, $0xF;
	[tilespmem:s30], [sflag:$0x1] =	stream.strided.gather [hbm4b:s19+s9], $0x800, s10, s9, $0x38;
	[tilespmem:$0xAA00] =	vst v63  }
0x5c: {  	s18 =	sshll.u32 s31, $0x7  }
0x5d: {  	s18 =	sand.u32 $0x1FFFFF80, s18  }
0x5e: {  	s0 =	rddreg [dreg:$0xd];
	s18 =	sadd.s32 s1, s18;
	s3 =	spop (v2sf)  }
0x5f: {  	[tilespmem:s0], [sflag:$0x1] =	stream.strided.gather [hbm4b:s18+s9], $0x800, s10, s9, $0x38;
	[tilespmem:$0xAA00] =	vst v63  }
0x60: {  	s19 =	sshll.u32 s3, $0x7  }
0x61: {  	s5 =	spop (v2sf);
	s19 =	sand.u32 $0x1FFFFF80, s19  }
0x62: {  	s4 =	rddreg [dreg:$0xe];
	s18 =	sshll.u32 s5, $0x7;
	s19 =	sadd.s32 s1, s19  }
0x63: {  	[tilespmem:s4], [sflag:$0x1] =	stream.strided.gather [hbm4b:s19+s9], $0x800, s10, s9, $0x38;
	[tilespmem:$0xAA00] =	vst v63  }
0x64: {  	s18 =	sand.u32 $0x1FFFFF80, s18;
	s15 =	spop (v2sf)  }
0x65: {  	s14 =	rddreg [dreg:$0xf];
	s18 =	sadd.s32 s1, s18;
	s19 =	sshll.u32 s15, $0x7  }
0x66: {  	[tilespmem:s14], [sflag:$0x1] =	stream.strided.gather [hbm4b:s18+s9], $0x800, s10, s9, $0x38;
	[tilespmem:$0xAA00] =	vst v63  }
0x67: {  	s22 =	sand.u32 $0x1FFFFF80, s19  }
0x68: {  	s16 =	rddreg [dreg:$0x10];
	s18 =	sadd.s32 s1, s22;
	s23 =	spop (v2sf)  }
0x69: {  	[tilespmem:s16], [sflag:$0x1] =	stream.strided.gather [hbm4b:s18+s9], $0x800, s10, s9, $0x38;
	[tilespmem:$0xAA00] =	vst v63  }
0x6a: {  	s19 =	sshll.u32 s23, $0x7;
	s25 =	spop (v2sf)  }
0x6b: {  	s19 =	sand.u32 $0x1FFFFF80, s19;
	s20 =	sshll.u32 s25, $0x7  }
0x6c: {  	s24 =	rddreg [dreg:$0x11];
	s19 =	sadd.s32 s1, s19;
	s20 =	sand.u32 $0x1FFFFF80, s20  }
0x6d: {  	[tilespmem:s24], [sflag:$0x1] =	stream.strided.gather [hbm4b:s19+s9], $0x800, s10, s9, $0x38;
	[tilespmem:$0xAA00] =	vst v63  }
0x6e: {  	s26 =	rddreg [dreg:$0x12];
	s28 =	sadd.s32 s1, s20  }
0x6f: {  	[tilespmem:s26], [sflag:$0x1] =	stream.strided.gather [hbm4b:s28+s9], $0x800, s10, s9, $0x38;
	[tilespmem:$0xAA00] =	vst v63  }
0x70: {  	_ =	swait.ge [sflag:s13], $0x800  }
0x71: {  	[sflag:s13] =	ssyncset.done $0x0  }
0x72: {  	[sflag:s13] =	ssyncadd.s32 $0xFFFFF800  }
0x73: {  	_ =	swait.ge [sflag:s13], $0x800  }
0x74: {  	[sflag:s13] =	ssyncset.done $0x0  }
0x75: {  	[sflag:s13] =	ssyncadd.s32 $0xFFFFF800  }
0x76: {  	_ =	swait.ge [sflag:s13], $0x800  }
0x77: {  	[sflag:s13] =	ssyncset.done $0x0  }
0x78: {  	[sflag:s13] =	ssyncadd.s32 $0xFFFFF800  }
0x79: {  	_ =	swait.ge [sflag:s13], $0x800  }
0x7a: {  	[sflag:s13] =	ssyncset.done $0x0  }
0x7b: {  	[sflag:s13] =	ssyncadd.s32 $0xFFFFF800  }
0x7c: {  	_ =	swait.ge [sflag:s13], $0x800  }
0x7d: {  	[sflag:s13] =	ssyncset.done $0x0  }
0x7e: {  	[sflag:s13] =	ssyncadd.s32 $0xFFFFF800  }
0x7f: {  	_ =	swait.ge [sflag:s13], $0x800  }
0x80: {  	[sflag:s13] =	ssyncset.done $0x0  }
0x81: {  	[sflag:s13] =	ssyncadd.s32 $0xFFFFF800  }
0x82: {  	_ =	swait.ge [sflag:s13], $0x800  }
0x83: {  	[sflag:s13] =	ssyncset.done $0x0  }
0x84: {  	[sflag:s13] =	ssyncadd.s32 $0xFFFFF800  }
0x85: {  	_ =	swait.ge [sflag:s13], $0x800  }
0x86: {  	[sflag:s13] =	ssyncset.done $0x0  }
0x87: {  	[sflag:s13] =	ssyncadd.s32 $0xFFFFF800  }
0x88: {  	_ =	swait.ge [sflag:s13], $0x800  }
0x89: {  	[sflag:s13] =	ssyncset.done $0x0  }
0x8a: {  	[sflag:s13] =	ssyncadd.s32 $0xFFFFF800  }
0x8b: {  	_ =	swait.ge [sflag:s13], $0x800  }
0x8c: {  	[sflag:s13] =	ssyncset.done $0x0  }
0x8d: {  	[sflag:s13] =	ssyncadd.s32 $0xFFFFF800  }
0x8e: {  	_ =	swait.ge [sflag:s13], $0x800  }
0x8f: {  	[sflag:s13] =	ssyncset.done $0x0  }
0x90: {  	[sflag:s13] =	ssyncadd.s32 $0xFFFFF800  }
0x91: {  	_ =	swait.ge [sflag:s13], $0x800  }
0x92: {  	[sflag:s13] =	ssyncset.done $0x0  }
0x93: {  	[sflag:s13] =	ssyncadd.s32 $0xFFFFF800  }
0x94: {  	_ =	swait.ge [sflag:s13], $0x800  }
0x95: {  	[sflag:s13] =	ssyncset.done $0x0  }
0x96: {  	[sflag:s13] =	ssyncadd.s32 $0xFFFFF800  }
0x97: {  	_ =	swait.ge [sflag:s13], $0x800  }
0x98: {  	[sflag:s13] =	ssyncset.done $0x0  }
0x99: {  	[sflag:s13] =	ssyncadd.s32 $0xFFFFF800  }
0x9a: {  	_ =	swait.ge [sflag:s13], $0x800  }
0x9b: {  	[sflag:s13] =	ssyncset.done $0x0  }
0x9c: {  	[sflag:s13] =	ssyncadd.s32 $0xFFFFF800  }
0x9d: {  	_ =	swait.ge [sflag:s13], $0x800  }
0x9e: {  	[sflag:s13] =	ssyncset.done $0x0  }
0x9f: {  	[sflag:s13] =	ssyncadd.s32 $0xFFFFF800  }
0xa0: {  	v18 =	vld [tilespmem:s2+$0x0];
	_ =	sdelay $0x4  }
0xa1: {  	v17 =	vadd.s32 $0xFFF0BE00, v18  }
0xa2: {  	v16 =	vand.u32 $0x7F, v18;
	vm1 =	vgt.s32 v17, $0x0  }
0xa3: {  	v19 =	vor.u32 v0, v16;
	v17 =	vnsel vm1, $0x0, v17  }
0xa4: {  	v17 =	vmin.u32 v17, $0x3F;
	_ =	sdelay $0x3  }
0xa5: {  	v19 =	vld.idx.msk [tilespmem:v19+s12+$0x0], $0xffff  }
0xa6: {  	v20 =	vld.idx.msk [tilespmem:v17+s11+$0x0], $0xffff;
	_ =	sdelay $0x1  }
0xa7: {  	v21 =	vor.u32 v1, v16  }
0xa8: {  	v22 =	vor.u32 $0x80, v17  }
0xa9: {  	s29 =	sand.u32 $0x70, s2;
	s30 =	sand.u32 $0xC00, s2;
	vm1 =	vgt.s32 v18, $0xF41FF  }
0xaa: {  	s22 =	sor.u32 s29, s30;
	v18 =	vsel vm1, v20, v19  }
0xab: {  	[tilespmem:s22+$0x8A00] =	vst v18  }
0xac: {  	v18 =	vld.idx.msk [tilespmem:v21+s12+$0x0], $0xffff  }
0xad: {  	v19 =	vld.idx.msk [tilespmem:v22+s11+$0x0], $0xffff;
	_ =	sdelay $0x1  }
0xae: {  	v20 =	vor.u32 v2, v16  }
0xaf: {  	v21 =	vor.u32 $0x100, v17;
	_ =	sdelay $0x1  }
0xb0: {  	v18 =	vsel vm1, v19, v18  }
0xb1: {  	[tilespmem:s22+$0x8A80] =	vst v18  }
0xb2: {  	v18 =	vld.idx.msk [tilespmem:v20+s12+$0x0], $0xffff  }
0xb3: {  	v19 =	vld.idx.msk [tilespmem:v21+s11+$0x0], $0xffff;
	_ =	sdelay $0x1  }
0xb4: {  	v20 =	vor.u32 v3, v16  }
0xb5: {  	v21 =	vor.u32 $0x180, v17;
	_ =	sdelay $0x1  }
0xb6: {  	v18 =	vsel vm1, v19, v18  }
0xb7: {  	[tilespmem:s22+$0x8B00] =	vst v18  }
0xb8: {  	v18 =	vld.idx.msk [tilespmem:v20+s12+$0x0], $0xffff  }
0xb9: {  	v19 =	vld.idx.msk [tilespmem:v21+s11+$0x0], $0xffff;
	_ =	sdelay $0x1  }
0xba: {  	v20 =	vor.u32 v4, v16  }
0xbb: {  	v21 =	vor.u32 $0x200, v17;
	_ =	sdelay $0x1  }
0xbc: {  	v18 =	vsel vm1, v19, v18  }
0xbd: {  	[tilespmem:s22+$0x8B80] =	vst v18  }
0xbe: {  	v18 =	vld.idx.msk [tilespmem:v20+s12+$0x0], $0xffff  }
0xbf: {  	v19 =	vld.idx.msk [tilespmem:v21+s11+$0x0], $0xffff;
	_ =	sdelay $0x1  }
0xc0: {  	v20 =	vor.u32 v5, v16  }
0xc1: {  	v21 =	vor.u32 $0x280, v17;
	_ =	sdelay $0x1  }
0xc2: {  	v18 =	vsel vm1, v19, v18  }
0xc3: {  	[tilespmem:s22+$0x8C00] =	vst v18  }
0xc4: {  	v18 =	vld.idx.msk [tilespmem:v20+s12+$0x0], $0xffff  }
0xc5: {  	v19 =	vld.idx.msk [tilespmem:v21+s11+$0x0], $0xffff;
	_ =	sdelay $0x1  }
0xc6: {  	v20 =	vor.u32 v6, v16  }
0xc7: {  	v21 =	vor.u32 $0x300, v17;
	_ =	sdelay $0x1  }
0xc8: {  	v18 =	vsel vm1, v19, v18  }
0xc9: {  	[tilespmem:s22+$0x8C80] =	vst v18  }
0xca: {  	v18 =	vld.idx.msk [tilespmem:v20+s12+$0x0], $0xffff  }
0xcb: {  	v19 =	vld.idx.msk [tilespmem:v21+s11+$0x0], $0xffff;
	_ =	sdelay $0x1  }
0xcc: {  	v20 =	vor.u32 v7, v16  }
0xcd: {  	v21 =	vor.u32 $0x380, v17;
	_ =	sdelay $0x1  }
0xce: {  	v18 =	vsel vm1, v19, v18  }
0xcf: {  	[tilespmem:s22+$0x8D00] =	vst v18  }
0xd0: {  	v18 =	vld.idx.msk [tilespmem:v20+s12+$0x0], $0xffff  }
0xd1: {  	v19 =	vld.idx.msk [tilespmem:v21+s11+$0x0], $0xffff;
	_ =	sdelay $0x1  }
0xd2: {  	v20 =	vor.u32 v8, v16  }
0xd3: {  	v21 =	vor.u32 $0x400, v17  }
0xd4: {  	s31 =	sor.u32 s2, s2  }
0xd5: {  	s18 =	sor.u32 $0x380, s31;
	v18 =	vsel vm1, v19, v18  }
0xd6: {  	[tilespmem:s18+$0x8A00] =	vst v18  }
0xd7: {  	v18 =	vld.idx.msk [tilespmem:v20+s12+$0x0], $0xffff  }
0xd8: {  	v19 =	vld.idx.msk [tilespmem:v21+s11+$0x0], $0xffff;
	_ =	sdelay $0x1  }
0xd9: {  	v20 =	vor.u32 v9, v16  }
0xda: {  	v21 =	vor.u32 $0x480, v17;
	_ =	sdelay $0x1  }
0xdb: {  	v18 =	vsel vm1, v19, v18  }
0xdc: {  	[tilespmem:s22+$0x9A00] =	vst v18  }
0xdd: {  	v18 =	vld.idx.msk [tilespmem:v20+s12+$0x0], $0xffff  }
0xde: {  	v19 =	vld.idx.msk [tilespmem:v21+s11+$0x0], $0xffff;
	_ =	sdelay $0x1  }
0xdf: {  	v20 =	vor.u32 v10, v16  }
0xe0: {  	v21 =	vor.u32 $0x500, v17;
	_ =	sdelay $0x1  }
0xe1: {  	v18 =	vsel vm1, v19, v18  }
0xe2: {  	[tilespmem:s22+$0x9A80] =	vst v18  }
0xe3: {  	v18 =	vld.idx.msk [tilespmem:v20+s12+$0x0], $0xffff  }
0xe4: {  	v19 =	vld.idx.msk [tilespmem:v21+s11+$0x0], $0xffff;
	_ =	sdelay $0x1  }
0xe5: {  	v20 =	vor.u32 v11, v16  }
0xe6: {  	v21 =	vor.u32 $0x580, v17;
	_ =	sdelay $0x1  }
0xe7: {  	v18 =	vsel vm1, v19, v18  }
0xe8: {  	[tilespmem:s22+$0x9B00] =	vst v18  }
0xe9: {  	v18 =	vld.idx.msk [tilespmem:v20+s12+$0x0], $0xffff  }
0xea: {  	v19 =	vld.idx.msk [tilespmem:v21+s11+$0x0], $0xffff;
	_ =	sdelay $0x1  }
0xeb: {  	v20 =	vor.u32 v12, v16  }
0xec: {  	v21 =	vor.u32 $0x600, v17;
	_ =	sdelay $0x1  }
0xed: {  	v18 =	vsel vm1, v19, v18  }
0xee: {  	[tilespmem:s22+$0x9B80] =	vst v18  }
0xef: {  	v18 =	vld.idx.msk [tilespmem:v20+s12+$0x0], $0xffff  }
0xf0: {  	v19 =	vld.idx.msk [tilespmem:v21+s11+$0x0], $0xffff;
	_ =	sdelay $0x1  }
0xf1: {  	v20 =	vor.u32 v13, v16  }
0xf2: {  	v21 =	vor.u32 $0x680, v17;
	_ =	sdelay $0x1  }
0xf3: {  	v18 =	vsel vm1, v19, v18  }
0xf4: {  	[tilespmem:s22+$0x9C00] =	vst v18  }
0xf5: {  	v19 =	vld.idx.msk [tilespmem:v20+s12+$0x0], $0xffff  }
0xf6: {  	s19 =	simm.s32 $0x0;
	s20 =	simm.s32 $0x0;
	s18 =	simm.s32 $0x10;
	v18 =	vor.u32 $0x700, v17;
	v21 =	vld.idx.msk [tilespmem:v21+s11+$0x0], $0xffff;
	v20 =	vor.u32 v14, v16  }
.LBB2_2:
0xf7: {  	_ =	sdelay $0x3  }
0xf8: {  	v19 =	vsel vm1, v21, v19  }
0xf9: {  	[tilespmem:s22+$0x9C80] =	vst v19  }
0xfa: {  	v19 =	vld.idx.msk [tilespmem:v20+s12+$0x0], $0xffff  }
0xfb: {  	v18 =	vld.idx.msk [tilespmem:v18+s11+$0x0], $0xffff;
	_ =	sdelay $0x1  }
0xfc: {  	v16 =	vor.u32 v15, v16  }
0xfd: {  	v17 =	vor.u32 $0x780, v17;
	_ =	sdelay $0x1  }
0xfe: {  	v18 =	vsel vm1, v18, v19  }
0xff: {  	[tilespmem:s22+$0x9D00] =	vst v18  }
0x100: {  	v16 =	vld.idx.msk [tilespmem:v16+s12+$0x0], $0xffff  }
0x101: {  	v17 =	vld.idx.msk [tilespmem:v17+s11+$0x0], $0xffff;
	_ =	sdelay $0x4  }
0x102: {  	v16 =	vsel vm1, v17, v16  }
0x103: {  	s20 =	sadd.s32 $0x10, s20;
	[tilespmem:s22+$0x9D80] =	vst v16  }
0x104: {  	v16 =	vld [tilespmem:s20+$0x0];
	_ =	sdelay $0x4  }
0x105: {  	v16 =	vshra.s32 v16, $0x7  }
0x106: {  	vm1 =	vgt.s32 v16, $0x0  }
0x107: {  	v16 =	vnsel vm1, $0x0, v16  }
0x108: {  	v16 =	vmin.u32 v16, $0x1E83  }
0x109: {  	vm1 =	vcmask $0x308;
	v17 =	vnsel vm0, $0x0, v16  }
0x10a: {  	v18 =	vsel vm1, $0x0, v16;
	v17 =	vor.u32 $0x80000000, v17  }
0x10b: {  	v20 =	vsel vm3, $0x0, v16;
	v18 =	vor.u32 $0x80000000, v18;
	(xrf0) =	vmax.scan.msk.u32 $0xffff, v17  }
0x10c: {  	v17 =	vor.u32 $0x80000000, v20;
	(xrf0) =	vmax.scan.msk.u32 $0xffff, v18  }
0x10d: {  	(xrf0) =	vmax.scan.msk.u32 $0xffff, v17  }
0x10e: {  	v21 =	vsel vm4, $0x0, v16  }
0x10f: {  	v20 =	vor.u32 $0x80000000, v21;
	v21 =	vsel vm7, $0x0, v16  }
0x110: {  	v19 =	vsel vm6, $0x0, v16;
	v21 =	vor.u32 $0x80000000, v21;
	(xrf0) =	vmax.scan.msk.u32 $0xffff, v20  }
0x111: {  	v22 =	vsel vm5, $0x0, v16;
	v19 =	vor.u32 $0x80000000, v19;
	(xrf0) =	vmax.scan.msk.u32 $0xffff, v21;
	v25, _, _ =	vpop (xrf0)  }
0x112: {  	v23 =	vsel vm8, $0x0, v16;
	v17 =	vsel vm9, $0x0, v16;
	(xrf0) =	vmax.scan.msk.u32 $0xffff, v19;
	(v2sf) =	vpush v25, $0xF;
	v62, _, _ =	vpop (xrf0)  }
0x113: {  	v18 =	vor.u32 $0x80000000, v22;
	v17 =	vor.u32 $0x80000000, v17;
	(v2sf) =	vpush v62, $0xF;
	v63, _, _ =	vpop (xrf0)  }
0x114: {  	v22 =	vor.u32 $0x80000000, v23;
	v23 =	vsel vm10, $0x0, v16;
	(xrf0) =	vmax.scan.msk.u32 $0xffff, v18;
	(v2sf) =	vpush v63, $0xF  }
0x115: {  	v20 =	vor.u32 $0x80000000, v23;
	(xrf0) =	vmax.scan.msk.u32 $0xffff, v22  }
0x116: {  	v23 =	vsel vm12, $0x0, v16;
	(xrf0) =	vmax.scan.msk.u32 $0xffff, v17;
	v17, _, _ =	vpop (xrf0)  }
0x117: {  	v24 =	vsel vm11, $0x0, v16;
	v19 =	vor.u32 $0x80000000, v23;
	(v2sf) =	vpush v17, $0xF;
	v17, _, _ =	vpop (xrf0)  }
0x118: {  	v21 =	vor.u32 $0x80000000, v24;
	(xrf0) =	vmax.scan.msk.u32 $0xffff, v20;
	v20, _, _ =	vpop (xrf0);
	(v2sf) =	vpush v17, $0xF  }
0x119: {  	(xrf0) =	vmax.scan.msk.u32 $0xffff, v21;
	(v2sf) =	vpush v20, $0xF  }
0x11a: {  	s24 =	rddreg [dreg:$0xf];
	(xrf0) =	vmax.scan.msk.u32 $0xffff, v19;
	v19, _, _ =	vpop (xrf0)  }
0x11b: {  	s25 =	rddreg [dreg:$0xe];
	v27 =	vsel vm14, $0x0, v16;
	(v2sf) =	vpush v19, $0xF  }
0x11c: {  	s26 =	rddreg [dreg:$0xd];
	v61 =	vsel vm13, $0x0, v16;
	v18 =	vor.u32 $0x80000000, v27  }
0x11d: {  	s28 =	rddreg [dreg:$0xc];
	v23 =	vor.u32 $0x80000000, v61  }
0x11e: {  	s29 =	rddreg [dreg:$0xb];
	(xrf0) =	vmax.scan.msk.u32 $0xffff, v23;
	v17, _, _ =	vpop (xrf0)  }
0x11f: {  	s30 =	rddreg [dreg:$0x8];
	(xrf0) =	vmax.scan.msk.u32 $0xffff, v18;
	v18, _, _ =	vpop (xrf0);
	(v2sf) =	vpush v17, $0xF  }
0x120: {  	s31 =	rddreg [dreg:$0x6];
	(v2sf) =	vpush v18, $0xF  }
0x121: {  	s3 =	rddreg [dreg:$0x5];
	s0 =	spop (v2sf)  }
0x122: {  	s4 =	rddreg [dreg:$0x4];
	s0 =	sshll.u32 s0, $0x7;
	s14 =	spop (v2sf)  }
0x123: {  	v26 =	vsel vm2, $0x0, v16;
	v16 =	vsel vm15, $0x0, v16;
	s0 =	sand.u32 $0x1FFFFF80, s0;
	s14 =	sshll.u32 s14, $0x7;
	s15 =	spop (v2sf)  }
0x124: {  	v16 =	vor.u32 $0x80000000, v16;
	s0 =	sadd.s32 s1, s0;
	s14 =	sand.u32 $0x1FFFFF80, s14;
	s15 =	sshll.u32 s15, $0x7  }
0x125: {  	v22 =	vor.u32 $0x80000000, v26;
	v20, _, _ =	vpop (xrf0);
	[tilespmem:s12], [sflag:$0x1] =	stream.strided.gather [hbm4b:s0+s9], $0x800, s10, s9, $0x38;
	[tilespmem:$0xAA00] =	vst v63  }
0x126: {  	(xrf0) =	vmax.scan.msk.u32 $0xffff, v22;
	s16 =	spop (v2sf);
	(v2sf) =	vpush v20, $0xF;
	s0 =	sadd.s32 s1, s14;
	s5 =	sand.u32 $0x1FFFFF80, s15  }
0x127: {  	(xrf0) =	vmax.scan.msk.u32 $0xffff, v16;
	v16, _, _ =	vpop (xrf0);
	s15 =	spop (v2sf);
	s16 =	sshll.u32 s16, $0x7;
	s14 =	sadd.s32 s1, s5  }
0x128: {  	v19, _, _ =	vpop (xrf0);
	(v2sf) =	vpush v16, $0xF;
	s5 =	spop (v2sf);
	s16 =	sand.u32 $0x1FFFFF80, s16;
	s15 =	sshll.u32 s15, $0x7  }
0x129: {  	(v2sf) =	vpush v19, $0xF;
	[tilespmem:s4], [sflag:$0x1] =	stream.strided.gather [hbm4b:s0+s9], $0x800, s10, s9, $0x38;
	[tilespmem:$0xAA00] =	vst v63  }
0x12a: {  	s5 =	sshll.u32 s5, $0x7;
	s0 =	sadd.s32 s1, s16;
	s16 =	spop (v2sf)  }
0x12b: {  	[tilespmem:s3], [sflag:$0x1] =	stream.strided.gather [hbm4b:s14+s9], $0x800, s10, s9, $0x38;
	[tilespmem:$0xAA00] =	vst v63  }
0x12c: {  	v21, _, _ =	vpop (xrf0);
	s15 =	sand.u32 $0x1FFFFF80, s15;
	s4 =	sand.u32 $0x1FFFFF80, s5;
	s14 =	sshll.u32 s16, $0x7  }
0x12d: {  	(v2sf) =	vpush v21, $0xF;
	[tilespmem:s31], [sflag:$0x1] =	stream.strided.gather [hbm4b:s0+s9], $0x800, s10, s9, $0x38;
	[tilespmem:$0xAA00] =	vst v63  }
0x12e: {  	v17, _, _ =	vpop (xrf0);
	s5 =	rddreg [dreg:$0x7];
	s16 =	spop (v2sf);
	s0 =	sand.u32 $0x1FFFFF80, s14  }
0x12f: {  	s16 =	sshll.u32 s16, $0x7;
	s31 =	spop (v2sf);
	(v2sf) =	vpush v17, $0xF;
	s0 =	sadd.s32 s1, s0  }
0x130: {  	v22, _, _ =	vpop (xrf0);
	[tilespmem:s5], [sflag:$0x1] =	stream.strided.gather [hbm4b:s0+s9], $0x800, s10, s9, $0x38;
	[tilespmem:$0xAA00] =	vst v63  }
0x131: {  	s15 =	sadd.s32 s1, s15;
	s3 =	sand.u32 $0x1FFFFF80, s16;
	(v2sf) =	vpush v22, $0xF;
	s5 =	sadd.s32 s1, s4  }
0x132: {  	[tilespmem:s30], [sflag:$0x1] =	stream.strided.gather [hbm4b:s5+s9], $0x800, s10, s9, $0x38;
	[tilespmem:$0xAA00] =	vst v63  }
0x133: {  	s14 =	sshll.u32 s31, $0x7;
	s3 =	sadd.s32 s1, s3;
	s4 =	rddreg [dreg:$0x9]  }
0x134: {  	[tilespmem:s4], [sflag:$0x1] =	stream.strided.gather [hbm4b:s15+s9], $0x800, s10, s9, $0x38;
	[tilespmem:$0xAA00] =	vst v63  }
0x135: {  	s14 =	sand.u32 $0x1FFFFF80, s14;
	s30 =	rddreg [dreg:$0xa];
	s16 =	spop (v2sf)  }
0x136: {  	[tilespmem:s30], [sflag:$0x1] =	stream.strided.gather [hbm4b:s3+s9], $0x800, s10, s9, $0x38;
	[tilespmem:$0xAA00] =	vst v63  }
0x137: {  	v18, _, _ =	vpop (xrf0);
	s5 =	sshll.u32 s16, $0x7;
	s31 =	spop (v2sf);
	s16 =	sadd.s32 s1, s14  }
0x138: {  	(v2sf) =	vpush v18, $0xF;
	s4 =	sand.u32 $0x1FFFFF80, s5;
	s15 =	sshll.u32 s31, $0x7;
	s31 =	spop (v2sf)  }
0x139: {  	[tilespmem:s29], [sflag:$0x1] =	stream.strided.gather [hbm4b:s16+s9], $0x800, s10, s9, $0x38;
	[tilespmem:$0xAA00] =	vst v63  }
0x13a: {  	s30 =	sand.u32 $0x1FFFFF80, s15;
	s4 =	sadd.s32 s1, s4;
	s5 =	sshll.u32 s31, $0x7  }
0x13b: {  	[tilespmem:s28], [sflag:$0x1] =	stream.strided.gather [hbm4b:s4+s9], $0x800, s10, s9, $0x38;
	[tilespmem:$0xAA00] =	vst v63  }
0x13c: {  	s14 =	spop (v2sf);
	s15 =	sadd.s32 s1, s30;
	s16 =	sand.u32 $0x1FFFFF80, s5  }
0x13d: {  	[tilespmem:s26], [sflag:$0x1] =	stream.strided.gather [hbm4b:s15+s9], $0x800, s10, s9, $0x38;
	[tilespmem:$0xAA00] =	vst v63  }
0x13e: {  	s28 =	sshll.u32 s14, $0x7;
	s29 =	sadd.s32 s1, s16;
	s31 =	spop (v2sf)  }
0x13f: {  	[tilespmem:s25], [sflag:$0x1] =	stream.strided.gather [hbm4b:s29+s9], $0x800, s10, s9, $0x38;
	[tilespmem:$0xAA00] =	vst v63  }
0x140: {  	s30 =	sand.u32 $0x1FFFFF80, s28;
	s4 =	sshll.u32 s31, $0x7;
	s5 =	spop (v2sf)  }
0x141: {  	s3 =	sadd.s32 s1, s30;
	s14 =	sand.u32 $0x1FFFFF80, s4;
	s15 =	sshll.u32 s5, $0x7  }
0x142: {  	[tilespmem:s24], [sflag:$0x1] =	stream.strided.gather [hbm4b:s3+s9], $0x800, s10, s9, $0x38;
	[tilespmem:$0xAA00] =	vst v63  }
0x143: {  	s23 =	rddreg [dreg:$0x10];
	s0 =	sadd.s32 s1, s14;
	s3 =	sand.u32 $0x1FFFFF80, s15  }
0x144: {  	[tilespmem:s23], [sflag:$0x1] =	stream.strided.gather [hbm4b:s0+s9], $0x800, s10, s9, $0x38;
	[tilespmem:$0xAA00] =	vst v63  }
0x145: {  	s22 =	rddreg [dreg:$0x11];
	s24 =	sadd.s32 s1, s3  }
0x146: {  	[tilespmem:s22], [sflag:$0x1] =	stream.strided.gather [hbm4b:s24+s9], $0x800, s10, s9, $0x38;
	[tilespmem:$0xAA00] =	vst v63  }
0x147: {  	s16 =	spop (v2sf)  }
0x148: {  	s4 =	sshll.u32 s16, $0x7  }
0x149: {  	s25 =	sand.u32 $0x1FFFFF80, s4  }
0x14a: {  	s26 =	rddreg [dreg:$0x12];
	s28 =	sadd.s32 s1, s25  }
0x14b: {  	[tilespmem:s26], [sflag:$0x1] =	stream.strided.gather [hbm4b:s28+s9], $0x800, s10, s9, $0x38;
	[tilespmem:$0xAA00] =	vst v63  }
0x14c: {  	_ =	swait.ge [sflag:s13], $0x800  }
0x14d: {  	[sflag:s13] =	ssyncset.done $0x0  }
0x14e: {  	[sflag:s13] =	ssyncadd.s32 $0xFFFFF800  }
0x14f: {  	_ =	swait.ge [sflag:s13], $0x800  }
0x150: {  	[sflag:s13] =	ssyncset.done $0x0  }
0x151: {  	[sflag:s13] =	ssyncadd.s32 $0xFFFFF800  }
0x152: {  	_ =	swait.ge [sflag:s13], $0x800  }
0x153: {  	[sflag:s13] =	ssyncset.done $0x0  }
0x154: {  	[sflag:s13] =	ssyncadd.s32 $0xFFFFF800  }
0x155: {  	_ =	swait.ge [sflag:s13], $0x800  }
0x156: {  	[sflag:s13] =	ssyncset.done $0x0  }
0x157: {  	[sflag:s13] =	ssyncadd.s32 $0xFFFFF800  }
0x158: {  	_ =	swait.ge [sflag:s13], $0x800  }
0x159: {  	[sflag:s13] =	ssyncset.done $0x0  }
0x15a: {  	[sflag:s13] =	ssyncadd.s32 $0xFFFFF800  }
0x15b: {  	_ =	swait.ge [sflag:s13], $0x800  }
0x15c: {  	[sflag:s13] =	ssyncset.done $0x0  }
0x15d: {  	[sflag:s13] =	ssyncadd.s32 $0xFFFFF800  }
0x15e: {  	_ =	swait.ge [sflag:s13], $0x800  }
0x15f: {  	[sflag:s13] =	ssyncset.done $0x0  }
0x160: {  	[sflag:s13] =	ssyncadd.s32 $0xFFFFF800  }
0x161: {  	_ =	swait.ge [sflag:s13], $0x800  }
0x162: {  	[sflag:s13] =	ssyncset.done $0x0  }
0x163: {  	[sflag:s13] =	ssyncadd.s32 $0xFFFFF800  }
0x164: {  	_ =	swait.ge [sflag:s13], $0x800  }
0x165: {  	[sflag:s13] =	ssyncset.done $0x0  }
0x166: {  	[sflag:s13] =	ssyncadd.s32 $0xFFFFF800  }
0x167: {  	_ =	swait.ge [sflag:s13], $0x800  }
0x168: {  	[sflag:s13] =	ssyncset.done $0x0  }
0x169: {  	[sflag:s13] =	ssyncadd.s32 $0xFFFFF800  }
0x16a: {  	_ =	swait.ge [sflag:s13], $0x800  }
0x16b: {  	[sflag:s13] =	ssyncset.done $0x0  }
0x16c: {  	[sflag:s13] =	ssyncadd.s32 $0xFFFFF800  }
0x16d: {  	_ =	swait.ge [sflag:s13], $0x800  }
0x16e: {  	[sflag:s13] =	ssyncset.done $0x0  }
0x16f: {  	[sflag:s13] =	ssyncadd.s32 $0xFFFFF800  }
0x170: {  	_ =	swait.ge [sflag:s13], $0x800  }
0x171: {  	[sflag:s13] =	ssyncset.done $0x0  }
0x172: {  	[sflag:s13] =	ssyncadd.s32 $0xFFFFF800  }
0x173: {  	_ =	swait.ge [sflag:s13], $0x800  }
0x174: {  	[sflag:s13] =	ssyncset.done $0x0  }
0x175: {  	[sflag:s13] =	ssyncadd.s32 $0xFFFFF800  }
0x176: {  	_ =	swait.ge [sflag:s13], $0x800  }
0x177: {  	[sflag:s13] =	ssyncset.done $0x0  }
0x178: {  	[sflag:s13] =	ssyncadd.s32 $0xFFFFF800  }
0x179: {  	_ =	swait.ge [sflag:s13], $0x800  }
0x17a: {  	[sflag:s13] =	ssyncset.done $0x0  }
0x17b: {  	[sflag:s13] =	ssyncadd.s32 $0xFFFFF800  }
0x17c: {  	v19 =	vld [tilespmem:s20+$0x0];
	_ =	sdelay $0x4  }
0x17d: {  	v17 =	vadd.s32 $0xFFF0BE00, v19  }
0x17e: {  	v16 =	vand.u32 $0x7F, v19;
	vm1 =	vgt.s32 v17, $0x0  }
0x17f: {  	v20 =	vor.u32 v0, v16;
	v17 =	vnsel vm1, $0x0, v17  }
0x180: {  	v17 =	vmin.u32 v17, $0x3F;
	_ =	sdelay $0x3  }
0x181: {  	v20 =	vld.idx.msk [tilespmem:v20+s12+$0x0], $0xffff  }
0x182: {  	v21 =	vld.idx.msk [tilespmem:v17+s11+$0x0], $0xffff;
	_ =	sdelay $0x1  }
0x183: {  	v22 =	vor.u32 v1, v16  }
0x184: {  	s19 =	sadd.s32 $0x80, s19;
	s21 =	smov.u32 s18;
	v23 =	vor.u32 $0x80, v17  }
0x185: {  	s30 =	sand.u32 $0xC00, s19;
	s29 =	sand.u32 $0x70, s21;
	vm1 =	vgt.s32 v19, $0xF41FF  }
0x186: {  	s22 =	sor.u32 s29, s30;
	v19 =	vsel vm1, v21, v20  }
0x187: {  	[tilespmem:s22+$0x8A00] =	vst v19  }
0x188: {  	v19 =	vld.idx.msk [tilespmem:v22+s12+$0x0], $0xffff  }
0x189: {  	v20 =	vld.idx.msk [tilespmem:v23+s11+$0x0], $0xffff;
	_ =	sdelay $0x1  }
0x18a: {  	v21 =	vor.u32 v2, v16  }
0x18b: {  	v22 =	vor.u32 $0x100, v17;
	_ =	sdelay $0x1  }
0x18c: {  	v19 =	vsel vm1, v20, v19  }
0x18d: {  	[tilespmem:s22+$0x8A80] =	vst v19  }
0x18e: {  	v19 =	vld.idx.msk [tilespmem:v21+s12+$0x0], $0xffff  }
0x18f: {  	v20 =	vld.idx.msk [tilespmem:v22+s11+$0x0], $0xffff;
	_ =	sdelay $0x1  }
0x190: {  	v21 =	vor.u32 v3, v16  }
0x191: {  	v22 =	vor.u32 $0x180, v17;
	_ =	sdelay $0x1  }
0x192: {  	v19 =	vsel vm1, v20, v19  }
0x193: {  	[tilespmem:s22+$0x8B00] =	vst v19  }
0x194: {  	v19 =	vld.idx.msk [tilespmem:v21+s12+$0x0], $0xffff  }
0x195: {  	v20 =	vld.idx.msk [tilespmem:v22+s11+$0x0], $0xffff;
	_ =	sdelay $0x1  }
0x196: {  	v21 =	vor.u32 v4, v16  }
0x197: {  	v22 =	vor.u32 $0x200, v17;
	_ =	sdelay $0x1  }
0x198: {  	v19 =	vsel vm1, v20, v19  }
0x199: {  	[tilespmem:s22+$0x8B80] =	vst v19  }
0x19a: {  	v19 =	vld.idx.msk [tilespmem:v21+s12+$0x0], $0xffff  }
0x19b: {  	v20 =	vld.idx.msk [tilespmem:v22+s11+$0x0], $0xffff;
	_ =	sdelay $0x1  }
0x19c: {  	v21 =	vor.u32 v5, v16  }
0x19d: {  	v22 =	vor.u32 $0x280, v17;
	_ =	sdelay $0x1  }
0x19e: {  	v19 =	vsel vm1, v20, v19  }
0x19f: {  	[tilespmem:s22+$0x8C00] =	vst v19  }
0x1a0: {  	v19 =	vld.idx.msk [tilespmem:v21+s12+$0x0], $0xffff  }
0x1a1: {  	v20 =	vld.idx.msk [tilespmem:v22+s11+$0x0], $0xffff;
	_ =	sdelay $0x1  }
0x1a2: {  	v21 =	vor.u32 v6, v16  }
0x1a3: {  	v22 =	vor.u32 $0x300, v17;
	_ =	sdelay $0x1  }
0x1a4: {  	v19 =	vsel vm1, v20, v19  }
0x1a5: {  	[tilespmem:s22+$0x8C80] =	vst v19  }
0x1a6: {  	v19 =	vld.idx.msk [tilespmem:v21+s12+$0x0], $0xffff  }
0x1a7: {  	v20 =	vld.idx.msk [tilespmem:v22+s11+$0x0], $0xffff;
	_ =	sdelay $0x1  }
0x1a8: {  	v21 =	vor.u32 v7, v16  }
0x1a9: {  	v22 =	vor.u32 $0x380, v17;
	_ =	sdelay $0x1  }
0x1aa: {  	v19 =	vsel vm1, v20, v19  }
0x1ab: {  	[tilespmem:s22+$0x8D00] =	vst v19  }
0x1ac: {  	v19 =	vld.idx.msk [tilespmem:v21+s12+$0x0], $0xffff  }
0x1ad: {  	v20 =	vld.idx.msk [tilespmem:v22+s11+$0x0], $0xffff;
	_ =	sdelay $0x1  }
0x1ae: {  	v21 =	vor.u32 v8, v16  }
0x1af: {  	v22 =	vor.u32 $0x400, v17  }
0x1b0: {  	s31 =	sor.u32 s19, s21  }
0x1b1: {  	s0 =	sor.u32 $0x380, s31;
	v19 =	vsel vm1, v20, v19  }
0x1b2: {  	[tilespmem:s0+$0x8A00] =	vst v19  }
0x1b3: {  	v19 =	vld.idx.msk [tilespmem:v21+s12+$0x0], $0xffff  }
0x1b4: {  	v20 =	vld.idx.msk [tilespmem:v22+s11+$0x0], $0xffff;
	_ =	sdelay $0x1  }
0x1b5: {  	v21 =	vor.u32 v9, v16  }
0x1b6: {  	v22 =	vor.u32 $0x480, v17;
	_ =	sdelay $0x1  }
0x1b7: {  	v19 =	vsel vm1, v20, v19  }
0x1b8: {  	[tilespmem:s22+$0x9A00] =	vst v19  }
0x1b9: {  	v19 =	vld.idx.msk [tilespmem:v21+s12+$0x0], $0xffff  }
0x1ba: {  	v20 =	vld.idx.msk [tilespmem:v22+s11+$0x0], $0xffff;
	_ =	sdelay $0x1  }
0x1bb: {  	v21 =	vor.u32 v10, v16  }
0x1bc: {  	v22 =	vor.u32 $0x500, v17;
	_ =	sdelay $0x1  }
0x1bd: {  	v19 =	vsel vm1, v20, v19  }
0x1be: {  	[tilespmem:s22+$0x9A80] =	vst v19  }
0x1bf: {  	v19 =	vld.idx.msk [tilespmem:v21+s12+$0x0], $0xffff  }
0x1c0: {  	v20 =	vld.idx.msk [tilespmem:v22+s11+$0x0], $0xffff;
	_ =	sdelay $0x1  }
0x1c1: {  	v21 =	vor.u32 v11, v16  }
0x1c2: {  	v22 =	vor.u32 $0x580, v17;
	_ =	sdelay $0x1  }
0x1c3: {  	v19 =	vsel vm1, v20, v19  }
0x1c4: {  	[tilespmem:s22+$0x9B00] =	vst v19  }
0x1c5: {  	v19 =	vld.idx.msk [tilespmem:v21+s12+$0x0], $0xffff  }
0x1c6: {  	v20 =	vld.idx.msk [tilespmem:v22+s11+$0x0], $0xffff;
	_ =	sdelay $0x1  }
0x1c7: {  	v21 =	vor.u32 v12, v16  }
0x1c8: {  	v22 =	vor.u32 $0x600, v17;
	_ =	sdelay $0x1  }
0x1c9: {  	v19 =	vsel vm1, v20, v19  }
0x1ca: {  	[tilespmem:s22+$0x9B80] =	vst v19  }
0x1cb: {  	v19 =	vld.idx.msk [tilespmem:v21+s12+$0x0], $0xffff  }
0x1cc: {  	v20 =	vld.idx.msk [tilespmem:v22+s11+$0x0], $0xffff;
	_ =	sdelay $0x1  }
0x1cd: {  	v21 =	vor.u32 v13, v16  }
0x1ce: {  	p0 =	sne.s32 s18, $0x1F0;
	v22 =	vor.u32 $0x680, v17  }
.Ltmp0:
0x1cf: {  	_ = 	snop;
	(pc) =	sbr.rel @p0 .LBB2_2-.Ltmp0, $4  }
0x1d0: {  	v19 =	vsel vm1, v20, v19  }
0x1d1: {  	[tilespmem:s22+$0x9C00] =	vst v19  }
0x1d2: {  	v19 =	vld.idx.msk [tilespmem:v21+s12+$0x0], $0xffff  }
0x1d3: {  	s18 =	sadd.s32 $0x10, s18;
	v18 =	vor.u32 $0x700, v17;
	v20 =	vor.u32 v14, v16;
	v21 =	vld.idx.msk [tilespmem:v22+s11+$0x0], $0xffff  }
0x1d4: {  	_ =	sdelay $0x3  }
0x1d5: {  	v19 =	vsel vm1, v21, v19  }
0x1d6: {  	[tilespmem:s22+$0x9C80] =	vst v19  }
0x1d7: {  	v19 =	vld.idx.msk [tilespmem:v20+s12+$0x0], $0xffff  }
0x1d8: {  	v18 =	vld.idx.msk [tilespmem:v18+s11+$0x0], $0xffff;
	_ =	sdelay $0x1  }
0x1d9: {  	v16 =	vor.u32 v15, v16  }
0x1da: {  	v17 =	vor.u32 $0x780, v17;
	_ =	sdelay $0x1  }
0x1db: {  	v18 =	vsel vm1, v18, v19  }
0x1dc: {  	[tilespmem:s22+$0x9D00] =	vst v18  }
0x1dd: {  	v16 =	vld.idx.msk [tilespmem:v16+s12+$0x0], $0xffff  }
0x1de: {  	v17 =	vld.idx.msk [tilespmem:v17+s11+$0x0], $0xffff;
	_ =	sdelay $0x3  }
0x1df: {  	s17 =	sadd.s32 $0x1, s17  }
0x1e0: {  	s0 =	simm.s32 $0x1000;
	p0 =	sne.s32 s17, s7;
	v16 =	vsel vm1, v17, v16  }
.Ltmp1:
0x1e1: {  	s3 =	simm.s32 $0x20000;
	s4 =	simm.s32 $0x8A00;
	[tilespmem:s22+$0x9D80] =	vst v16;
	(pc) =	sbr.rel @p0 .LBB2_1-.Ltmp1, $4  }
0x1e2: {  	[hbm4b:s6+s0] =	stream.strided.scatter [tilespmem:s4], [sflag:$0x2], $0x2000, s3, s0, $0x38;
	[tilespmem:$0xAA00] =	vst v63  }
0x1e3: {  	_ =	swait.ge [sflag:s8], $0x2000  }
0x1e4: {  	[sflag:s8] =	ssyncset.done $0x0  }
0x1e5: {  	[sflag:s8] =	ssyncadd.s32 $0xFFFFE000  }
0x1e6: {  	_ =	sfence.sel $0x180000  }
0x1e7: {  	[bflag:$0x0] =	sbarrier.arrive $0xFFFF  }
0x1e8: {  	_ =	strace $0x90000047  }
0x1e9: {  	s0 =	stileid.u32;
	[bflag:$0x2] =	sbarrier.arrive $0xFFFF  }
0x1ea: {  	p0 =	sne.s32 s0, $0x0;
	s0 =	rddreg [dreg:$0x3]  }
0x1eb: {  	s0 =	sadd.s32 @!p0 $0x100000, s0  }
0x1ec: {  	[sflag:s0] =	ssyncadd.tile.s32 @!p0 $0x1;
	_ =	shalt  }
.Lfunc_end2:
_tile_overlayer_lowered:
.L_overlay_start_2:
0x1ed: {  	(tag) =	ssettag $0x2  }
0x1ee: {  	s0 =	rddreg [dreg:$0x0];
	s2 =	stileid.u32  }
0x1ef: {  	s1 =	rddreg [dreg:$0x1];
	p0 =	sne.s32 s2, $0x0  }
0x1f0: {  	s3 =	rddreg [dreg:$0x2];
	[bflag:$0x3] =	sbarrier.arrive $0xFFFF;
	s2 =	simm.s32 @!p0 $0x1C02  }
0x1f1: {  	[timem:s3], [sflag:s2] =	dma.local @!p0 [hbm:s0], s1  }
0x1f2: {  	s0 =	simm.s32 @!p0 $0x2  }
0x1f3: {  	_ =	swait.ge @!p0 [sflag:s0], s1  }
0x1f4: {  	s1 =	ssub.s32 @!p0 $0x0, s1;
	[sflag:s0] =	ssyncset.done @!p0 $0x0  }
0x1f5: {  	[sflag:s0] =	ssyncadd.s32 @!p0 s1  }
0x1f6: {  	[bflag:$0x3] =	sbarrier.arrive $0xFFFF  }
0x1f7: {  	_ =	shalt  }

</sc_bundles>
